<compile_context>
chip_gen: v7x
topology: tpu7x:2x2x1
jax: 0.10.2.dev20260603
libtpu: 0.0.44.dev20260713+nightly
codegen_flags: <defaults>
</compile_context>

<pallas_src>
import functools

import jax
import jax.numpy as jnp
from jax import lax
from jax.experimental import pallas as pl
from jax.experimental.pallas import tpu as pltpu
from jax.experimental.pallas import tpu_sc as plsc

D = 64
MAX_LEN = 5000
B, T = 4096, 200
ROWS = B * T
NC, NS = 2, 16
NW = NC * NS
RPW = ROWS // NW
CHUNK = 256
IDXB = 128
NGATHER = CHUNK // IDXB
NITER = RPW // (2 * CHUNK)

_mesh = plsc.VectorSubcoreMesh(core_axis_name="c", subcore_axis_name="s")


@functools.partial(
    pl.kernel,
    out_type=jax.ShapeDtypeStruct((ROWS, D), jnp.float32),
    mesh=_mesh,
    scratch_types=[
        pltpu.VMEM((2, CHUNK), jnp.float32),
        pltpu.VMEM((2, NGATHER, IDXB), jnp.int32),
        pltpu.VMEM((2, CHUNK, D), jnp.float32),
        pltpu.VMEM((CHUNK, 2 * D), jnp.float32),
        pltpu.SemaphoreType.DMA,
        pltpu.SemaphoreType.DMA,
        pltpu.SemaphoreType.DMA,
        pltpu.SemaphoreType.DMA,
        pltpu.SemaphoreType.DMA,
        pltpu.SemaphoreType.DMA,
        pltpu.SemaphoreType.DMA,
        pltpu.SemaphoreType.DMA,
    ],
)
def _sc_add_pe(x_hbm, tf_hbm, pe_hbm, out_hbm, tf_v, idx_v, x_v, pe_v,
               s_tf0, s_tf1, s_x0, s_x1, s_g0, s_g1, s_o0, s_o1):
    wid = lax.axis_index("s") * NC + lax.axis_index("c")
    base = wid * RPW
    s_tf = (s_tf0, s_tf1)
    s_x = (s_x0, s_x1)
    s_g = (s_g0, s_g1)
    s_o = (s_o0, s_o1)

    def start_in(slot, row0):
        pltpu.async_copy(tf_hbm.at[pl.ds(row0, CHUNK)], tf_v.at[slot],
                         s_tf[slot])
        pltpu.async_copy(x_hbm.at[pl.ds(row0, CHUNK)], x_v.at[slot],
                         s_x[slot])

    def wait_in(slot, row0):
        pltpu.make_async_copy(tf_hbm.at[pl.ds(row0, CHUNK)], tf_v.at[slot],
                              s_tf[slot]).wait()

    def compute_idx_and_gather(slot):
        def idx_body(i, _):
            t = tf_v[slot, pl.ds(i * 16, 16)]
            iv = (t * float(MAX_LEN)).astype(jnp.int32)
            idx_v[slot, i // (IDXB // 16),
                  pl.ds((i % (IDXB // 16)) * 16, 16)] = iv
            return 0

        lax.fori_loop(0, CHUNK // 16, idx_body, 0)
        for j in range(NGATHER):
            pltpu.async_copy(pe_hbm.at[idx_v.at[slot, j]],
                             pe_v.at[pl.ds(j * IDXB, IDXB)], s_g[slot])

    def wait_and_add(slot, row0):
        pltpu.make_async_copy(x_hbm.at[pl.ds(row0, CHUNK)], x_v.at[slot],
                              s_x[slot]).wait()
        for j in range(NGATHER):
            pltpu.make_async_copy(pe_hbm.at[idx_v.at[slot, j]],
                                  pe_v.at[pl.ds(j * IDXB, IDXB)],
                                  s_g[slot]).wait()

        def add_body(j, _):
            for h in range(D // 16):
                s = pl.ds(h * 16, 16)
                plsc.addupdate(x_v.at[slot, j, s], pe_v[j, s])
            return 0

        lax.fori_loop(0, CHUNK, add_body, 0)

    def start_out(slot, row0):
        pltpu.async_copy(x_v.at[slot], out_hbm.at[pl.ds(row0, CHUNK)],
                         s_o[slot])

    def wait_out(slot, row0):
        pltpu.make_async_copy(x_v.at[slot], out_hbm.at[pl.ds(row0, CHUNK)],
                              s_o[slot]).wait()

    start_in(0, base)

    def pair(k, drain_prev_b):
        row_a = base + (2 * k) * CHUNK
        row_b = row_a + CHUNK
        row_a2 = jnp.minimum(row_a + 2 * CHUNK, ROWS - CHUNK)

        if drain_prev_b:
            wait_out(1, row_b - 2 * CHUNK)
        start_in(1, row_b)
        wait_in(0, row_a)
        compute_idx_and_gather(0)
        wait_and_add(0, row_a)
        start_out(0, row_a)
        wait_in(1, row_b)
        compute_idx_and_gather(1)
        wait_out(0, row_a)
        start_in(0, row_a2)
        wait_and_add(1, row_b)
        start_out(1, row_b)

    pair(0, False)

    def pair_body(k, carry):
        pair(k, True)
        return carry

    lax.fori_loop(1, NITER, pair_body, 0)
    wait_out(1, base + RPW - CHUNK)
    wait_in(0, ROWS - CHUNK)
    pltpu.make_async_copy(x_hbm.at[pl.ds(ROWS - CHUNK, CHUNK)], x_v.at[0],
                          s_x0).wait()


def kernel(x, time_features, pe):
    pe2 = jnp.concatenate([pe, pe], axis=1)
    out = _sc_add_pe(x.reshape(ROWS, D), time_features.reshape(ROWS), pe2)
    return out.reshape(B, T, D)

# --- scband reference (transcript-rebuilt; emitter-appended) ---
"""Pipeline reference for scband-time-aware-positional-encoding-88278757802062 (READ-ONLY COPY).

The authoritative reference and input builder live on the scoring server;
editing this copy changes nothing except your own understanding.
"""

import jax, jax.numpy as jnp
import numpy as np

D_MODEL = 64
MAX_LEN = 5000

def _build_pe(max_len, d_model):
    pe = np.zeros((max_len, d_model), dtype=np.float32)
    position = np.arange(0, max_len, dtype=np.float32)[:, None]
    div_term = np.exp(np.arange(0, d_model, 2, dtype=np.float32) * (-np.log(10000.0) / d_model))
    pe[:, 0::2] = np.sin(position * div_term)
    pe[:, 1::2] = np.cos(position * div_term)
    return jnp.asarray(pe)

def setup_inputs(seed: int = 0) -> dict:
    key = jax.random.key(seed)
    k1, k2 = jax.random.split(key)
    x = jax.random.normal(k1, (4096, 200, D_MODEL), dtype=jnp.float32)
    time_features = jax.random.uniform(k2, (4096, 200), dtype=jnp.float32)
    pe = _build_pe(MAX_LEN, D_MODEL)
    return {"x": x, "time_features": time_features, "pe": pe}

def reference(x, time_features, pe):
    idx = (time_features * pe.shape[0]).astype(jnp.int32)
    pos_encoding = jnp.take(pe, idx, axis=0)
    return x + pos_encoding

if __name__ == "__main__":
    import jax
    _d = setup_inputs()
    print(jax.jit(kernel)(*tuple(_d.values())))

</pallas_src>

<mosaic_0001>
#map = affine_map<(d0, d1) -> (0, 0)>
#map1 = affine_map<(d0, d1) -> (0)>
module attributes {stable_mosaic.version = 14 : i64} {
  func.func @_sc_add_pe(%arg0: i32, %arg1: i32, %arg2: memref<819200x64xf32, #tpu.memory_space<hbm>>, %arg3: memref<819200xf32, #tpu.memory_space<hbm>>, %arg4: memref<5000x128xf32, #tpu.memory_space<hbm>>, %arg5: memref<819200x64xf32, #tpu.memory_space<hbm>>, %arg6: memref<2x256xf32, #tpu.memory_space<vmem>>, %arg7: memref<2x2x128xi32, #tpu.memory_space<vmem>>, %arg8: memref<2x256x64xf32, #tpu.memory_space<vmem>>, %arg9: memref<256x128xf32, #tpu.memory_space<vmem>>, %arg10: memref<!tpu.dma_semaphore, #tpu.memory_space<semaphore_mem>>, %arg11: memref<!tpu.dma_semaphore, #tpu.memory_space<semaphore_mem>>, %arg12: memref<!tpu.dma_semaphore, #tpu.memory_space<semaphore_mem>>, %arg13: memref<!tpu.dma_semaphore, #tpu.memory_space<semaphore_mem>>, %arg14: memref<!tpu.dma_semaphore, #tpu.memory_space<semaphore_mem>>, %arg15: memref<!tpu.dma_semaphore, #tpu.memory_space<semaphore_mem>>, %arg16: memref<!tpu.dma_semaphore, #tpu.memory_space<semaphore_mem>>, %arg17: memref<!tpu.dma_semaphore, #tpu.memory_space<semaphore_mem>>) attributes {dimension_semantics = [#tpu.dimension_semantics<core_parallel>, #tpu.dimension_semantics<subcore_parallel>], iteration_bounds = array<i64: 2, 16>, scalar_prefetch = 0 : i64, scratch_operands = 12 : i64, tpu.core_type = #tpu.core_type<sc_vector_subcore>, window_params = [{transform_indices = #map}, {transform_indices = #map1}, {transform_indices = #map}, {transform_indices = #map}]} {
    %mul3A = arith.constant 2 : i32
    %mul3A_0 = arith.muli %arg1, %mul3A : i32
    %add3A = arith.addi %mul3A_0, %arg0 : i32
    %mul3A_1 = arith.constant 25600 : i32
    %mul3A_2 = arith.muli %add3A, %mul3A_1 : i32
    %dma_start3A = arith.constant 0 : i32
    %dma_start3A_3 = arith.constant 0 : i32
    %dma_start3A_4 = tpu.memref_slice %arg6[%dma_start3A, %dma_start3A_3] : memref<2x256xf32, #tpu.memory_space<vmem>> -> memref<1x256xf32, #tpu.memory_space<vmem>>
    %dma_start3A_5 = tpu.memref_squeeze %dma_start3A_4 : memref<1x256xf32, #tpu.memory_space<vmem>> -> memref<256xf32, #tpu.memory_space<vmem>>
    %dma_start3A_6 = tpu.memref_slice %arg3[%mul3A_2] : memref<819200xf32, #tpu.memory_space<hbm>> -> memref<256xf32, #tpu.memory_space<hbm>>
    %dma_start3A_7 = arith.constant 0 : i32
    %dma_start3A_8 = tpu.memref_slice %arg6[%dma_start3A, %dma_start3A_7] : memref<2x256xf32, #tpu.memory_space<vmem>> -> memref<1x256xf32, #tpu.memory_space<vmem>>
    %dma_start3A_9 = tpu.memref_squeeze %dma_start3A_8 : memref<1x256xf32, #tpu.memory_space<vmem>> -> memref<256xf32, #tpu.memory_space<vmem>>
    %dma_start3A_10 = tpu.memref_slice %arg3[%mul3A_2] : memref<819200xf32, #tpu.memory_space<hbm>> -> memref<256xf32, #tpu.memory_space<hbm>>
    tpu.enqueue_dma source(%dma_start3A_10 : memref<256xf32, #tpu.memory_space<hbm>>) target(%dma_start3A_9 : memref<256xf32, #tpu.memory_space<vmem>>) target_semaphore(%arg10 : memref<!tpu.dma_semaphore, #tpu.memory_space<semaphore_mem>>)
    %dma_start3A_11 = arith.constant 0 : i32
    %dma_start3A_12 = arith.constant 0 : i32
    %dma_start3A_13 = arith.constant 0 : i32
    %dma_start3A_14 = tpu.memref_slice %arg8[%dma_start3A_11, %dma_start3A_12, %dma_start3A_13] : memref<2x256x64xf32, #tpu.memory_space<vmem>> -> memref<1x256x64xf32, #tpu.memory_space<vmem>>
    %dma_start3A_15 = tpu.memref_squeeze %dma_start3A_14 : memref<1x256x64xf32, #tpu.memory_space<vmem>> -> memref<256x64xf32, #tpu.memory_space<vmem>>
    %dma_start3A_16 = arith.constant 0 : i32
    %dma_start3A_17 = tpu.memref_slice %arg2[%mul3A_2, %dma_start3A_16] : memref<819200x64xf32, #tpu.memory_space<hbm>> -> memref<256x64xf32, #tpu.memory_space<hbm>>
    %dma_start3A_18 = arith.constant 0 : i32
    %dma_start3A_19 = arith.constant 0 : i32
    %dma_start3A_20 = tpu.memref_slice %arg8[%dma_start3A_11, %dma_start3A_18, %dma_start3A_19] : memref<2x256x64xf32, #tpu.memory_space<vmem>> -> memref<1x256x64xf32, #tpu.memory_space<vmem>>
    %dma_start3A_21 = tpu.memref_squeeze %dma_start3A_20 : memref<1x256x64xf32, #tpu.memory_space<vmem>> -> memref<256x64xf32, #tpu.memory_space<vmem>>
    %dma_start3A_22 = arith.constant 0 : i32
    %dma_start3A_23 = tpu.memref_slice %arg2[%mul3A_2, %dma_start3A_22] : memref<819200x64xf32, #tpu.memory_space<hbm>> -> memref<256x64xf32, #tpu.memory_space<hbm>>
    tpu.enqueue_dma source(%dma_start3A_23 : memref<256x64xf32, #tpu.memory_space<hbm>>) target(%dma_start3A_21 : memref<256x64xf32, #tpu.memory_space<vmem>>) target_semaphore(%arg12 : memref<!tpu.dma_semaphore, #tpu.memory_space<semaphore_mem>>)
    %add3A_24 = arith.constant 0 : i32
    %add3A_25 = arith.addi %mul3A_2, %add3A_24 : i32
    %add3A_26 = arith.constant 256 : i32
    %add3A_27 = arith.addi %add3A_25, %add3A_26 : i32
    %add3A_28 = arith.constant 512 : i32
    %add3A_29 = arith.addi %add3A_25, %add3A_28 : i32
    %min3A = arith.constant 818944 : i32
    %min3A_30 = arith.minsi %add3A_29, %min3A : i32
    %dma_start3A_31 = arith.constant 1 : i32
    %dma_start3A_32 = arith.constant 0 : i32
    %dma_start3A_33 = tpu.memref_slice %arg6[%dma_start3A_31, %dma_start3A_32] : memref<2x256xf32, #tpu.memory_space<vmem>> -> memref<1x256xf32, #tpu.memory_space<vmem>>
    %dma_start3A_34 = tpu.memref_squeeze %dma_start3A_33 : memref<1x256xf32, #tpu.memory_space<vmem>> -> memref<256xf32, #tpu.memory_space<vmem>>
    %dma_start3A_35 = tpu.memref_slice %arg3[%add3A_27] : memref<819200xf32, #tpu.memory_space<hbm>> -> memref<256xf32, #tpu.memory_space<hbm>>
    %dma_start3A_36 = arith.constant 0 : i32
    %dma_start3A_37 = tpu.memref_slice %arg6[%dma_start3A_31, %dma_start3A_36] : memref<2x256xf32, #tpu.memory_space<vmem>> -> memref<1x256xf32, #tpu.memory_space<vmem>>
    %dma_start3A_38 = tpu.memref_squeeze %dma_start3A_37 : memref<1x256xf32, #tpu.memory_space<vmem>> -> memref<256xf32, #tpu.memory_space<vmem>>
    %dma_start3A_39 = tpu.memref_slice %arg3[%add3A_27] : memref<819200xf32, #tpu.memory_space<hbm>> -> memref<256xf32, #tpu.memory_space<hbm>>
    tpu.enqueue_dma source(%dma_start3A_39 : memref<256xf32, #tpu.memory_space<hbm>>) target(%dma_start3A_38 : memref<256xf32, #tpu.memory_space<vmem>>) target_semaphore(%arg11 : memref<!tpu.dma_semaphore, #tpu.memory_space<semaphore_mem>>)
    %dma_start3A_40 = arith.constant 1 : i32
    %dma_start3A_41 = arith.constant 0 : i32
    %dma_start3A_42 = arith.constant 0 : i32
    %dma_start3A_43 = tpu.memref_slice %arg8[%dma_start3A_40, %dma_start3A_41, %dma_start3A_42] : memref<2x256x64xf32, #tpu.memory_space<vmem>> -> memref<1x256x64xf32, #tpu.memory_space<vmem>>
    %dma_start3A_44 = tpu.memref_squeeze %dma_start3A_43 : memref<1x256x64xf32, #tpu.memory_space<vmem>> -> memref<256x64xf32, #tpu.memory_space<vmem>>
    %dma_start3A_45 = arith.constant 0 : i32
    %dma_start3A_46 = tpu.memref_slice %arg2[%add3A_27, %dma_start3A_45] : memref<819200x64xf32, #tpu.memory_space<hbm>> -> memref<256x64xf32, #tpu.memory_space<hbm>>
    %dma_start3A_47 = arith.constant 0 : i32
    %dma_start3A_48 = arith.constant 0 : i32
    %dma_start3A_49 = tpu.memref_slice %arg8[%dma_start3A_40, %dma_start3A_47, %dma_start3A_48] : memref<2x256x64xf32, #tpu.memory_space<vmem>> -> memref<1x256x64xf32, #tpu.memory_space<vmem>>
    %dma_start3A_50 = tpu.memref_squeeze %dma_start3A_49 : memref<1x256x64xf32, #tpu.memory_space<vmem>> -> memref<256x64xf32, #tpu.memory_space<vmem>>
    %dma_start3A_51 = arith.constant 0 : i32
    %dma_start3A_52 = tpu.memref_slice %arg2[%add3A_27, %dma_start3A_51] : memref<819200x64xf32, #tpu.memory_space<hbm>> -> memref<256x64xf32, #tpu.memory_space<hbm>>
    tpu.enqueue_dma source(%dma_start3A_52 : memref<256x64xf32, #tpu.memory_space<hbm>>) target(%dma_start3A_50 : memref<256x64xf32, #tpu.memory_space<vmem>>) target_semaphore(%arg13 : memref<!tpu.dma_semaphore, #tpu.memory_space<semaphore_mem>>)
    %dma_wait3A = arith.constant 0 : i32
    %dma_wait3A_53 = arith.constant 0 : i32
    %dma_wait3A_54 = tpu.memref_slice %arg6[%dma_wait3A, %dma_wait3A_53] : memref<2x256xf32, #tpu.memory_space<vmem>> -> memref<1x256xf32, #tpu.memory_space<vmem>>
    %dma_wait3A_55 = tpu.memref_squeeze %dma_wait3A_54 : memref<1x256xf32, #tpu.memory_space<vmem>> -> memref<256xf32, #tpu.memory_space<vmem>>
    %dma_wait3A_56 = tpu.memref_slice %arg3[%add3A_25] : memref<819200xf32, #tpu.memory_space<hbm>> -> memref<256xf32, #tpu.memory_space<hbm>>
    %dma_wait3A_57 = arith.constant 0 : i32
    %dma_wait3A_58 = tpu.memref_slice %arg6[%dma_wait3A, %dma_wait3A_57] : memref<2x256xf32, #tpu.memory_space<vmem>> -> memref<1x256xf32, #tpu.memory_space<vmem>>
    %dma_wait3A_59 = tpu.memref_squeeze %dma_wait3A_58 : memref<1x256xf32, #tpu.memory_space<vmem>> -> memref<256xf32, #tpu.memory_space<vmem>>
    %dma_wait3A_60 = tpu.memref_slice %arg3[%add3A_25] : memref<819200xf32, #tpu.memory_space<hbm>> -> memref<256xf32, #tpu.memory_space<hbm>>
    tpu.wait_dma2 semaphore(%arg10 : memref<!tpu.dma_semaphore, #tpu.memory_space<semaphore_mem>>) src(%dma_wait3A_60 : memref<256xf32, #tpu.memory_space<hbm>>) dst(%dma_wait3A_59 : memref<256xf32, #tpu.memory_space<vmem>>)
    %scan3A = arith.constant 0 : i32
    %scan3A_61 = arith.constant 0 : i32
    %scan3A_62 = arith.constant 16 : i32
    %scan3A_63 = arith.addi %scan3A_61, %scan3A_62 : i32
    %scan3A_64 = arith.constant 1 : i32
    %scan3A_65 = scf.for %scan3A_320 = %scan3A_61 to %scan3A_63 step %scan3A_64 iter_args(%scan3A_321 = %scan3A) -> (i32)  : i32 {
      %mul3A_322 = arith.constant 16 : i32
      %mul3A_323 = arith.muli %scan3A_320, %mul3A_322 : i32
      %get3A = arith.constant 0 : i32
      %get3A_324 = arith.index_cast %get3A : i32 to index
      %get3A_325 = arith.index_cast %mul3A_323 : i32 to index
      %get3A_326 = tpu.vector_load %arg6[%get3A_324, %get3A_325] {strides = array<i32>} : memref<2x256xf32, #tpu.memory_space<vmem>>, vector<1x16xf32>,
      %get3A_327 = vector.shape_cast %get3A_326 : vector<1x16xf32> to vector<16xf32>
      %mul3A_328 = arith.constant 5.000000e+03 : f32
      %mul3A_329 = vector.broadcast %mul3A_328 : f32 to vector<16xf32>
      %mul3A_330 = arith.mulf %get3A_327, %mul3A_329 : vector<16xf32>
      %convert_element_type3A = arith.fptosi %mul3A_330 : vector<16xf32> to vector<16xi32>
      %jit3A = arith.constant 8 : i32
      %div3A = arith.divsi %scan3A_320, %jit3A : i32
      %sign3A = arith.constant 0 : i32
      %sign3A_331 = arith.cmpi sgt, %scan3A_320, %sign3A : i32
      %sign3A_332 = arith.extui %sign3A_331 : i1 to i32
      %sign3A_333 = arith.constant 0 : i32
      %sign3A_334 = arith.cmpi slt, %scan3A_320, %sign3A_333 : i32
      %sign3A_335 = arith.extui %sign3A_334 : i1 to i32
      %sign3A_336 = arith.subi %sign3A_332, %sign3A_335 : i32
      %sign3A_337 = arith.constant 0 : i32
      %sign3A_338 = arith.cmpi sgt, %jit3A, %sign3A_337 : i32
      %sign3A_339 = arith.extui %sign3A_338 : i1 to i32
      %sign3A_340 = arith.constant 0 : i32
      %sign3A_341 = arith.cmpi slt, %jit3A, %sign3A_340 : i32
      %sign3A_342 = arith.extui %sign3A_341 : i1 to i32
      %sign3A_343 = arith.subi %sign3A_339, %sign3A_342 : i32
      %ne3A = arith.cmpi ne, %sign3A_336, %sign3A_343 : i32
      %rem3A = arith.remsi %scan3A_320, %jit3A : i32
      %ne3A_344 = arith.constant 0 : i32
      %ne3A_345 = arith.cmpi ne, %rem3A, %ne3A_344 : i32
      %and3A = arith.andi %ne3A, %ne3A_345 : i1
      %sub3A_346 = arith.constant 1 : i32
      %sub3A_347 = arith.subi %div3A, %sub3A_346 : i32
      %select_n3A = arith.select %and3A, %sub3A_347, %div3A : i32
      %jit3A_348 = arith.constant 8 : i32
      %eq3A = arith.constant 0 : i32
      %eq3A_349 = arith.cmpi eq, %jit3A_348, %eq3A : i32
      %jit3A_350 = arith.constant 1 : i32
      %select_n3A_351 = arith.select %eq3A_349, %jit3A_350, %jit3A_348 : i32
      %rem3A_352 = arith.remsi %scan3A_320, %select_n3A_351 : i32
      %ne3A_353 = arith.constant 0 : i32
      %ne3A_354 = arith.cmpi ne, %rem3A_352, %ne3A_353 : i32
      %lt3A = arith.constant 0 : i32
      %lt3A_355 = arith.cmpi slt, %rem3A_352, %lt3A : i32
      %lt3A_356 = arith.constant 0 : i32
      %lt3A_357 = arith.cmpi slt, %select_n3A_351, %lt3A_356 : i32
      %ne3A_358 = arith.xori %lt3A_355, %lt3A_357 : i1
      %and3A_359 = arith.andi %ne3A_358, %ne3A_354 : i1
      %add3A_360 = arith.addi %rem3A_352, %select_n3A_351 : i32
      %select_n3A_361 = arith.select %and3A_359, %add3A_360, %rem3A_352 : i32
      %mul3A_362 = arith.constant 16 : i32
      %mul3A_363 = arith.muli %select_n3A_361, %mul3A_362 : i32
      %swap3A = arith.constant 0 : i32
      %swap3A_364 = arith.index_cast %swap3A : i32 to index
      %swap3A_365 = arith.index_cast %select_n3A : i32 to index
      %swap3A_366 = arith.index_cast %mul3A_363 : i32 to index
      %swap3A_367 = tpu.vector_load %arg7[%swap3A_364, %swap3A_365, %swap3A_366] {strides = array<i32>} : memref<2x2x128xi32, #tpu.memory_space<vmem>>, vector<1x1x16xi32>,
      %swap3A_368 = vector.shape_cast %swap3A_367 : vector<1x1x16xi32> to vector<16xi32>
      %swap3A_369 = vector.shape_cast %convert_element_type3A : vector<16xi32> to vector<1x1x16xi32>
      tpu.vector_store %arg7[%swap3A_364, %swap3A_365, %swap3A_366], %swap3A_369 {strides = array<i32>} : memref<2x2x128xi32, #tpu.memory_space<vmem>>, vector<1x1x16xi32>,
      %scan3A_370 = arith.constant 0 : i32
      scf.yield %scan3A_370 : i32
    }
    %scan3A_66 = arith.constant 16 : i32
    %dma_start3A_67 = arith.constant 0 : i32
    %dma_start3A_68 = arith.constant 0 : i32
    %dma_start3A_69 = arith.constant 0 : i32
    %dma_start3A_70 = arith.constant 0 : i32
    %dma_start3A_71 = tpu.memref_slice %arg9[%dma_start3A_69, %dma_start3A_70] : memref<256x128xf32, #tpu.memory_space<vmem>> -> memref<128x128xf32, #tpu.memory_space<vmem>>
    %dma_start3A_72 = arith.constant 0 : i32
    %dma_start3A_73 = tpu.memref_slice %arg7[%dma_start3A_67, %dma_start3A_68, %dma_start3A_72] : memref<2x2x128xi32, #tpu.memory_space<vmem>> -> memref<1x1x128xi32, #tpu.memory_space<vmem>>
    %dma_start3A_74 = tpu.memref_squeeze %dma_start3A_73 : memref<1x1x128xi32, #tpu.memory_space<vmem>> -> memref<128xi32, #tpu.memory_space<vmem>>
    %dma_start3A_75 = arith.constant 0 : i32
    %dma_start3A_76 = arith.constant 0 : i32
    %dma_start3A_77 = tpu.memref_slice %arg4[%dma_start3A_75, %dma_start3A_76] : memref<5000x128xf32, #tpu.memory_space<hbm>> -> memref<5000x128xf32, #tpu.memory_space<hbm>>
    tpu.enqueue_indirect_dma source(%dma_start3A_77 : memref<5000x128xf32, #tpu.memory_space<hbm>>) target(%dma_start3A_71 : memref<128x128xf32, #tpu.memory_space<vmem>>) offsets(%dma_start3A_74 : memref<128xi32, #tpu.memory_space<vmem>>) semaphore(%arg14 : memref<!tpu.dma_semaphore, #tpu.memory_space<semaphore_mem>>)
    %dma_start3A_78 = arith.constant 0 : i32
    %dma_start3A_79 = arith.constant 1 : i32
    %dma_start3A_80 = arith.constant 128 : i32
    %dma_start3A_81 = arith.constant 0 : i32
    %dma_start3A_82 = tpu.memref_slice %arg9[%dma_start3A_80, %dma_start3A_81] : memref<256x128xf32, #tpu.memory_space<vmem>> -> memref<128x128xf32, #tpu.memory_space<vmem>>
    %dma_start3A_83 = arith.constant 0 : i32
    %dma_start3A_84 = tpu.memref_slice %arg7[%dma_start3A_78, %dma_start3A_79, %dma_start3A_83] : memref<2x2x128xi32, #tpu.memory_space<vmem>> -> memref<1x1x128xi32, #tpu.memory_space<vmem>>
    %dma_start3A_85 = tpu.memref_squeeze %dma_start3A_84 : memref<1x1x128xi32, #tpu.memory_space<vmem>> -> memref<128xi32, #tpu.memory_space<vmem>>
    %dma_start3A_86 = arith.constant 0 : i32
    %dma_start3A_87 = arith.constant 0 : i32
    %dma_start3A_88 = tpu.memref_slice %arg4[%dma_start3A_86, %dma_start3A_87] : memref<5000x128xf32, #tpu.memory_space<hbm>> -> memref<5000x128xf32, #tpu.memory_space<hbm>>
    tpu.enqueue_indirect_dma source(%dma_start3A_88 : memref<5000x128xf32, #tpu.memory_space<hbm>>) target(%dma_start3A_82 : memref<128x128xf32, #tpu.memory_space<vmem>>) offsets(%dma_start3A_85 : memref<128xi32, #tpu.memory_space<vmem>>) semaphore(%arg14 : memref<!tpu.dma_semaphore, #tpu.memory_space<semaphore_mem>>)
    %dma_wait3A_89 = arith.constant 0 : i32
    %dma_wait3A_90 = arith.constant 0 : i32
    %dma_wait3A_91 = arith.constant 0 : i32
    %dma_wait3A_92 = tpu.memref_slice %arg8[%dma_wait3A_89, %dma_wait3A_90, %dma_wait3A_91] : memref<2x256x64xf32, #tpu.memory_space<vmem>> -> memref<1x256x64xf32, #tpu.memory_space<vmem>>
    %dma_wait3A_93 = tpu.memref_squeeze %dma_wait3A_92 : memref<1x256x64xf32, #tpu.memory_space<vmem>> -> memref<256x64xf32, #tpu.memory_space<vmem>>
    %dma_wait3A_94 = arith.constant 0 : i32
    %dma_wait3A_95 = tpu.memref_slice %arg2[%add3A_25, %dma_wait3A_94] : memref<819200x64xf32, #tpu.memory_space<hbm>> -> memref<256x64xf32, #tpu.memory_space<hbm>>
    %dma_wait3A_96 = arith.constant 0 : i32
    %dma_wait3A_97 = arith.constant 0 : i32
    %dma_wait3A_98 = tpu.memref_slice %arg8[%dma_wait3A_89, %dma_wait3A_96, %dma_wait3A_97] : memref<2x256x64xf32, #tpu.memory_space<vmem>> -> memref<1x256x64xf32, #tpu.memory_space<vmem>>
    %dma_wait3A_99 = tpu.memref_squeeze %dma_wait3A_98 : memref<1x256x64xf32, #tpu.memory_space<vmem>> -> memref<256x64xf32, #tpu.memory_space<vmem>>
    %dma_wait3A_100 = arith.constant 0 : i32
    %dma_wait3A_101 = tpu.memref_slice %arg2[%add3A_25, %dma_wait3A_100] : memref<819200x64xf32, #tpu.memory_space<hbm>> -> memref<256x64xf32, #tpu.memory_space<hbm>>
    tpu.wait_dma2 semaphore(%arg12 : memref<!tpu.dma_semaphore, #tpu.memory_space<semaphore_mem>>) src(%dma_wait3A_101 : memref<256x64xf32, #tpu.memory_space<hbm>>) dst(%dma_wait3A_99 : memref<256x64xf32, #tpu.memory_space<vmem>>)
    %dma_wait3A_102 = arith.constant 0 : i32
    %dma_wait3A_103 = arith.constant 0 : i32
    %dma_wait3A_104 = arith.constant 0 : i32
    %dma_wait3A_105 = arith.constant 0 : i32
    %dma_wait3A_106 = tpu.memref_slice %arg9[%dma_wait3A_104, %dma_wait3A_105] : memref<256x128xf32, #tpu.memory_space<vmem>> -> memref<128x128xf32, #tpu.memory_space<vmem>>
    %dma_wait3A_107 = arith.constant 0 : i32
    %dma_wait3A_108 = tpu.memref_slice %arg7[%dma_wait3A_102, %dma_wait3A_103, %dma_wait3A_107] : memref<2x2x128xi32, #tpu.memory_space<vmem>> -> memref<1x1x128xi32, #tpu.memory_space<vmem>>
    %dma_wait3A_109 = tpu.memref_squeeze %dma_wait3A_108 : memref<1x1x128xi32, #tpu.memory_space<vmem>> -> memref<128xi32, #tpu.memory_space<vmem>>
    %dma_wait3A_110 = arith.constant 0 : i32
    %dma_wait3A_111 = arith.constant 0 : i32
    %dma_wait3A_112 = tpu.memref_slice %arg4[%dma_wait3A_110, %dma_wait3A_111] : memref<5000x128xf32, #tpu.memory_space<hbm>> -> memref<5000x128xf32, #tpu.memory_space<hbm>>
    tpu.wait_indirect_dma semaphore(%arg14 : memref<!tpu.dma_semaphore, #tpu.memory_space<semaphore_mem>>) src(%dma_wait3A_112 : memref<5000x128xf32, #tpu.memory_space<hbm>>) dst(%dma_wait3A_106 : memref<128x128xf32, #tpu.memory_space<vmem>>)
    %dma_wait3A_113 = arith.constant 0 : i32
    %dma_wait3A_114 = arith.constant 1 : i32
    %dma_wait3A_115 = arith.constant 128 : i32
    %dma_wait3A_116 = arith.constant 0 : i32
    %dma_wait3A_117 = tpu.memref_slice %arg9[%dma_wait3A_115, %dma_wait3A_116] : memref<256x128xf32, #tpu.memory_space<vmem>> -> memref<128x128xf32, #tpu.memory_space<vmem>>
    %dma_wait3A_118 = arith.constant 0 : i32
    %dma_wait3A_119 = tpu.memref_slice %arg7[%dma_wait3A_113, %dma_wait3A_114, %dma_wait3A_118] : memref<2x2x128xi32, #tpu.memory_space<vmem>> -> memref<1x1x128xi32, #tpu.memory_space<vmem>>
    %dma_wait3A_120 = tpu.memref_squeeze %dma_wait3A_119 : memref<1x1x128xi32, #tpu.memory_space<vmem>> -> memref<128xi32, #tpu.memory_space<vmem>>
    %dma_wait3A_121 = arith.constant 0 : i32
    %dma_wait3A_122 = arith.constant 0 : i32
    %dma_wait3A_123 = tpu.memref_slice %arg4[%dma_wait3A_121, %dma_wait3A_122] : memref<5000x128xf32, #tpu.memory_space<hbm>> -> memref<5000x128xf32, #tpu.memory_space<hbm>>
    tpu.wait_indirect_dma semaphore(%arg14 : memref<!tpu.dma_semaphore, #tpu.memory_space<semaphore_mem>>) src(%dma_wait3A_123 : memref<5000x128xf32, #tpu.memory_space<hbm>>) dst(%dma_wait3A_117 : memref<128x128xf32, #tpu.memory_space<vmem>>)
    %scan3A_124 = arith.constant 0 : i32
    %scan3A_125 = arith.constant 0 : i32
    %scan3A_126 = arith.constant 256 : i32
    %scan3A_127 = arith.addi %scan3A_125, %scan3A_126 : i32
    %scan3A_128 = arith.constant 1 : i32
    %scan3A_129 = scf.for %scan3A_320 = %scan3A_125 to %scan3A_127 step %scan3A_128 iter_args(%scan3A_321 = %scan3A_124) -> (i32)  : i32 {
      %get3A = arith.index_cast %scan3A_320 : i32 to index
      %get3A_322 = arith.constant 0 : index
      %get3A_323 = tpu.vector_load %arg9[%get3A, %get3A_322] {strides = array<i32>} : memref<256x128xf32, #tpu.memory_space<vmem>>, vector<1x16xf32>,
      %get3A_324 = vector.shape_cast %get3A_323 : vector<1x16xf32> to vector<16xf32>
      %swap3A = arith.constant 0 : i32
      %swap3A_325 = arith.index_cast %swap3A : i32 to index
      %swap3A_326 = arith.index_cast %scan3A_320 : i32 to index
      %swap3A_327 = arith.constant 0 : index
      %swap3A_328 = tpu.vector_load %arg8[%swap3A_325, %swap3A_326, %swap3A_327] {strides = array<i32>} : memref<2x256x64xf32, #tpu.memory_space<vmem>>, vector<1x1x16xf32>,
      %swap3A_329 = vector.shape_cast %swap3A_328 : vector<1x1x16xf32> to vector<16xf32>
      %swap3A_330 = vector.shape_cast %get3A_324 : vector<16xf32> to vector<1x1x16xf32>
      tpu.vector_store %arg8[%swap3A_325, %swap3A_326, %swap3A_327], %swap3A_330 {add = true, strides = array<i32>} : memref<2x256x64xf32, #tpu.memory_space<vmem>>, vector<1x1x16xf32>,
      %get3A_331 = arith.index_cast %scan3A_320 : i32 to index
      %get3A_332 = arith.constant 16 : index
      %get3A_333 = tpu.vector_load %arg9[%get3A_331, %get3A_332] {strides = array<i32>} : memref<256x128xf32, #tpu.memory_space<vmem>>, vector<1x16xf32>,
      %get3A_334 = vector.shape_cast %get3A_333 : vector<1x16xf32> to vector<16xf32>
      %swap3A_335 = arith.constant 0 : i32
      %swap3A_336 = arith.index_cast %swap3A_335 : i32 to index
      %swap3A_337 = arith.index_cast %scan3A_320 : i32 to index
      %swap3A_338 = arith.constant 16 : index
      %swap3A_339 = tpu.vector_load %arg8[%swap3A_336, %swap3A_337, %swap3A_338] {strides = array<i32>} : memref<2x256x64xf32, #tpu.memory_space<vmem>>, vector<1x1x16xf32>,
      %swap3A_340 = vector.shape_cast %swap3A_339 : vector<1x1x16xf32> to vector<16xf32>
      %swap3A_341 = vector.shape_cast %get3A_334 : vector<16xf32> to vector<1x1x16xf32>
      tpu.vector_store %arg8[%swap3A_336, %swap3A_337, %swap3A_338], %swap3A_341 {add = true, strides = array<i32>} : memref<2x256x64xf32, #tpu.memory_space<vmem>>, vector<1x1x16xf32>,
      %get3A_342 = arith.index_cast %scan3A_320 : i32 to index
      %get3A_343 = arith.constant 32 : index
      %get3A_344 = tpu.vector_load %arg9[%get3A_342, %get3A_343] {strides = array<i32>} : memref<256x128xf32, #tpu.memory_space<vmem>>, vector<1x16xf32>,
      %get3A_345 = vector.shape_cast %get3A_344 : vector<1x16xf32> to vector<16xf32>
      %swap3A_346 = arith.constant 0 : i32
      %swap3A_347 = arith.index_cast %swap3A_346 : i32 to index
      %swap3A_348 = arith.index_cast %scan3A_320 : i32 to index
      %swap3A_349 = arith.constant 32 : index
      %swap3A_350 = tpu.vector_load %arg8[%swap3A_347, %swap3A_348, %swap3A_349] {strides = array<i32>} : memref<2x256x64xf32, #tpu.memory_space<vmem>>, vector<1x1x16xf32>,
      %swap3A_351 = vector.shape_cast %swap3A_350 : vector<1x1x16xf32> to vector<16xf32>
      %swap3A_352 = vector.shape_cast %get3A_345 : vector<16xf32> to vector<1x1x16xf32>
      tpu.vector_store %arg8[%swap3A_347, %swap3A_348, %swap3A_349], %swap3A_352 {add = true, strides = array<i32>} : memref<2x256x64xf32, #tpu.memory_space<vmem>>, vector<1x1x16xf32>,
      %get3A_353 = arith.index_cast %scan3A_320 : i32 to index
      %get3A_354 = arith.constant 48 : index
      %get3A_355 = tpu.vector_load %arg9[%get3A_353, %get3A_354] {strides = array<i32>} : memref<256x128xf32, #tpu.memory_space<vmem>>, vector<1x16xf32>,
      %get3A_356 = vector.shape_cast %get3A_355 : vector<1x16xf32> to vector<16xf32>
      %swap3A_357 = arith.constant 0 : i32
      %swap3A_358 = arith.index_cast %swap3A_357 : i32 to index
      %swap3A_359 = arith.index_cast %scan3A_320 : i32 to index
      %swap3A_360 = arith.constant 48 : index
      %swap3A_361 = tpu.vector_load %arg8[%swap3A_358, %swap3A_359, %swap3A_360] {strides = array<i32>} : memref<2x256x64xf32, #tpu.memory_space<vmem>>, vector<1x1x16xf32>,
      %swap3A_362 = vector.shape_cast %swap3A_361 : vector<1x1x16xf32> to vector<16xf32>
      %swap3A_363 = vector.shape_cast %get3A_356 : vector<16xf32> to vector<1x1x16xf32>
      tpu.vector_store %arg8[%swap3A_358, %swap3A_359, %swap3A_360], %swap3A_363 {add = true, strides = array<i32>} : memref<2x256x64xf32, #tpu.memory_space<vmem>>, vector<1x1x16xf32>,
      %scan3A_364 = arith.constant 0 : i32
      scf.yield %scan3A_364 : i32
    }
    %scan3A_130 = arith.constant 256 : i32
    %dma_start3A_131 = arith.constant 0 : i32
    %dma_start3A_132 = arith.constant 0 : i32
    %dma_start3A_133 = arith.constant 0 : i32
    %dma_start3A_134 = tpu.memref_slice %arg8[%dma_start3A_131, %dma_start3A_132, %dma_start3A_133] : memref<2x256x64xf32, #tpu.memory_space<vmem>> -> memref<1x256x64xf32, #tpu.memory_space<vmem>>
    %dma_start3A_135 = tpu.memref_squeeze %dma_start3A_134 : memref<1x256x64xf32, #tpu.memory_space<vmem>> -> memref<256x64xf32, #tpu.memory_space<vmem>>
    %dma_start3A_136 = arith.constant 0 : i32
    %dma_start3A_137 = tpu.memref_slice %arg5[%add3A_25, %dma_start3A_136] : memref<819200x64xf32, #tpu.memory_space<hbm>> -> memref<256x64xf32, #tpu.memory_space<hbm>>
    %dma_start3A_138 = arith.constant 0 : i32
    %dma_start3A_139 = tpu.memref_slice %arg5[%add3A_25, %dma_start3A_138] : memref<819200x64xf32, #tpu.memory_space<hbm>> -> memref<256x64xf32, #tpu.memory_space<hbm>>
    %dma_start3A_140 = arith.constant 0 : i32
    %dma_start3A_141 = arith.constant 0 : i32
    %dma_start3A_142 = tpu.memref_slice %arg8[%dma_start3A_131, %dma_start3A_140, %dma_start3A_141] : memref<2x256x64xf32, #tpu.memory_space<vmem>> -> memref<1x256x64xf32, #tpu.memory_space<vmem>>
    %dma_start3A_143 = tpu.memref_squeeze %dma_start3A_142 : memref<1x256x64xf32, #tpu.memory_space<vmem>> -> memref<256x64xf32, #tpu.memory_space<vmem>>
    tpu.enqueue_dma source(%dma_start3A_143 : memref<256x64xf32, #tpu.memory_space<vmem>>) target(%dma_start3A_139 : memref<256x64xf32, #tpu.memory_space<hbm>>) target_semaphore(%arg16 : memref<!tpu.dma_semaphore, #tpu.memory_space<semaphore_mem>>)
    %dma_wait3A_144 = arith.constant 1 : i32
    %dma_wait3A_145 = arith.constant 0 : i32
    %dma_wait3A_146 = tpu.memref_slice %arg6[%dma_wait3A_144, %dma_wait3A_145] : memref<2x256xf32, #tpu.memory_space<vmem>> -> memref<1x256xf32, #tpu.memory_space<vmem>>
    %dma_wait3A_147 = tpu.memref_squeeze %dma_wait3A_146 : memref<1x256xf32, #tpu.memory_space<vmem>> -> memref<256xf32, #tpu.memory_space<vmem>>
    %dma_wait3A_148 = tpu.memref_slice %arg3[%add3A_27] : memref<819200xf32, #tpu.memory_space<hbm>> -> memref<256xf32, #tpu.memory_space<hbm>>
    %dma_wait3A_149 = arith.constant 0 : i32
    %dma_wait3A_150 = tpu.memref_slice %arg6[%dma_wait3A_144, %dma_wait3A_149] : memref<2x256xf32, #tpu.memory_space<vmem>> -> memref<1x256xf32, #tpu.memory_space<vmem>>
    %dma_wait3A_151 = tpu.memref_squeeze %dma_wait3A_150 : memref<1x256xf32, #tpu.memory_space<vmem>> -> memref<256xf32, #tpu.memory_space<vmem>>
    %dma_wait3A_152 = tpu.memref_slice %arg3[%add3A_27] : memref<819200xf32, #tpu.memory_space<hbm>> -> memref<256xf32, #tpu.memory_space<hbm>>
    tpu.wait_dma2 semaphore(%arg11 : memref<!tpu.dma_semaphore, #tpu.memory_space<semaphore_mem>>) src(%dma_wait3A_152 : memref<256xf32, #tpu.memory_space<hbm>>) dst(%dma_wait3A_151 : memref<256xf32, #tpu.memory_space<vmem>>)
    %scan3A_153 = arith.constant 0 : i32
    %scan3A_154 = arith.constant 0 : i32
    %scan3A_155 = arith.constant 16 : i32
    %scan3A_156 = arith.addi %scan3A_154, %scan3A_155 : i32
    %scan3A_157 = arith.constant 1 : i32
    %scan3A_158 = scf.for %scan3A_320 = %scan3A_154 to %scan3A_156 step %scan3A_157 iter_args(%scan3A_321 = %scan3A_153) -> (i32)  : i32 {
      %mul3A_322 = arith.constant 16 : i32
      %mul3A_323 = arith.muli %scan3A_320, %mul3A_322 : i32
      %get3A = arith.constant 1 : i32
      %get3A_324 = arith.index_cast %get3A : i32 to index
      %get3A_325 = arith.index_cast %mul3A_323 : i32 to index
      %get3A_326 = tpu.vector_load %arg6[%get3A_324, %get3A_325] {strides = array<i32>} : memref<2x256xf32, #tpu.memory_space<vmem>>, vector<1x16xf32>,
      %get3A_327 = vector.shape_cast %get3A_326 : vector<1x16xf32> to vector<16xf32>
      %mul3A_328 = arith.constant 5.000000e+03 : f32
      %mul3A_329 = vector.broadcast %mul3A_328 : f32 to vector<16xf32>
      %mul3A_330 = arith.mulf %get3A_327, %mul3A_329 : vector<16xf32>
      %convert_element_type3A = arith.fptosi %mul3A_330 : vector<16xf32> to vector<16xi32>
      %jit3A = arith.constant 8 : i32
      %div3A = arith.divsi %scan3A_320, %jit3A : i32
      %sign3A = arith.constant 0 : i32
      %sign3A_331 = arith.cmpi sgt, %scan3A_320, %sign3A : i32
      %sign3A_332 = arith.extui %sign3A_331 : i1 to i32
      %sign3A_333 = arith.constant 0 : i32
      %sign3A_334 = arith.cmpi slt, %scan3A_320, %sign3A_333 : i32
      %sign3A_335 = arith.extui %sign3A_334 : i1 to i32
      %sign3A_336 = arith.subi %sign3A_332, %sign3A_335 : i32
      %sign3A_337 = arith.constant 0 : i32
      %sign3A_338 = arith.cmpi sgt, %jit3A, %sign3A_337 : i32
      %sign3A_339 = arith.extui %sign3A_338 : i1 to i32
      %sign3A_340 = arith.constant 0 : i32
      %sign3A_341 = arith.cmpi slt, %jit3A, %sign3A_340 : i32
      %sign3A_342 = arith.extui %sign3A_341 : i1 to i32
      %sign3A_343 = arith.subi %sign3A_339, %sign3A_342 : i32
      %ne3A = arith.cmpi ne, %sign3A_336, %sign3A_343 : i32
      %rem3A = arith.remsi %scan3A_320, %jit3A : i32
      %ne3A_344 = arith.constant 0 : i32
      %ne3A_345 = arith.cmpi ne, %rem3A, %ne3A_344 : i32
      %and3A = arith.andi %ne3A, %ne3A_345 : i1
      %sub3A_346 = arith.constant 1 : i32
      %sub3A_347 = arith.subi %div3A, %sub3A_346 : i32
      %select_n3A = arith.select %and3A, %sub3A_347, %div3A : i32
      %jit3A_348 = arith.constant 8 : i32
      %eq3A = arith.constant 0 : i32
      %eq3A_349 = arith.cmpi eq, %jit3A_348, %eq3A : i32
      %jit3A_350 = arith.constant 1 : i32
      %select_n3A_351 = arith.select %eq3A_349, %jit3A_350, %jit3A_348 : i32
      %rem3A_352 = arith.remsi %scan3A_320, %select_n3A_351 : i32
      %ne3A_353 = arith.constant 0 : i32
      %ne3A_354 = arith.cmpi ne, %rem3A_352, %ne3A_353 : i32
      %lt3A = arith.constant 0 : i32
      %lt3A_355 = arith.cmpi slt, %rem3A_352, %lt3A : i32
      %lt3A_356 = arith.constant 0 : i32
      %lt3A_357 = arith.cmpi slt, %select_n3A_351, %lt3A_356 : i32
      %ne3A_358 = arith.xori %lt3A_355, %lt3A_357 : i1
      %and3A_359 = arith.andi %ne3A_358, %ne3A_354 : i1
      %add3A_360 = arith.addi %rem3A_352, %select_n3A_351 : i32
      %select_n3A_361 = arith.select %and3A_359, %add3A_360, %rem3A_352 : i32
      %mul3A_362 = arith.constant 16 : i32
      %mul3A_363 = arith.muli %select_n3A_361, %mul3A_362 : i32
      %swap3A = arith.constant 1 : i32
      %swap3A_364 = arith.index_cast %swap3A : i32 to index
      %swap3A_365 = arith.index_cast %select_n3A : i32 to index
      %swap3A_366 = arith.index_cast %mul3A_363 : i32 to index
      %swap3A_367 = tpu.vector_load %arg7[%swap3A_364, %swap3A_365, %swap3A_366] {strides = array<i32>} : memref<2x2x128xi32, #tpu.memory_space<vmem>>, vector<1x1x16xi32>,
      %swap3A_368 = vector.shape_cast %swap3A_367 : vector<1x1x16xi32> to vector<16xi32>
      %swap3A_369 = vector.shape_cast %convert_element_type3A : vector<16xi32> to vector<1x1x16xi32>
      tpu.vector_store %arg7[%swap3A_364, %swap3A_365, %swap3A_366], %swap3A_369 {strides = array<i32>} : memref<2x2x128xi32, #tpu.memory_space<vmem>>, vector<1x1x16xi32>,
      %scan3A_370 = arith.constant 0 : i32
      scf.yield %scan3A_370 : i32
    }
    %scan3A_159 = arith.constant 16 : i32
    %dma_start3A_160 = arith.constant 1 : i32
    %dma_start3A_161 = arith.constant 0 : i32
    %dma_start3A_162 = arith.constant 0 : i32
    %dma_start3A_163 = arith.constant 0 : i32
    %dma_start3A_164 = tpu.memref_slice %arg9[%dma_start3A_162, %dma_start3A_163] : memref<256x128xf32, #tpu.memory_space<vmem>> -> memref<128x128xf32, #tpu.memory_space<vmem>>
    %dma_start3A_165 = arith.constant 0 : i32
    %dma_start3A_166 = tpu.memref_slice %arg7[%dma_start3A_160, %dma_start3A_161, %dma_start3A_165] : memref<2x2x128xi32, #tpu.memory_space<vmem>> -> memref<1x1x128xi32, #tpu.memory_space<vmem>>
    %dma_start3A_167 = tpu.memref_squeeze %dma_start3A_166 : memref<1x1x128xi32, #tpu.memory_space<vmem>> -> memref<128xi32, #tpu.memory_space<vmem>>
    %dma_start3A_168 = arith.constant 0 : i32
    %dma_start3A_169 = arith.constant 0 : i32
    %dma_start3A_170 = tpu.memref_slice %arg4[%dma_start3A_168, %dma_start3A_169] : memref<5000x128xf32, #tpu.memory_space<hbm>> -> memref<5000x128xf32, #tpu.memory_space<hbm>>
    tpu.enqueue_indirect_dma source(%dma_start3A_170 : memref<5000x128xf32, #tpu.memory_space<hbm>>) target(%dma_start3A_164 : memref<128x128xf32, #tpu.memory_space<vmem>>) offsets(%dma_start3A_167 : memref<128xi32, #tpu.memory_space<vmem>>) semaphore(%arg15 : memref<!tpu.dma_semaphore, #tpu.memory_space<semaphore_mem>>)
    %dma_start3A_171 = arith.constant 1 : i32
    %dma_start3A_172 = arith.constant 1 : i32
    %dma_start3A_173 = arith.constant 128 : i32
    %dma_start3A_174 = arith.constant 0 : i32
    %dma_start3A_175 = tpu.memref_slice %arg9[%dma_start3A_173, %dma_start3A_174] : memref<256x128xf32, #tpu.memory_space<vmem>> -> memref<128x128xf32, #tpu.memory_space<vmem>>
    %dma_start3A_176 = arith.constant 0 : i32
    %dma_start3A_177 = tpu.memref_slice %arg7[%dma_start3A_171, %dma_start3A_172, %dma_start3A_176] : memref<2x2x128xi32, #tpu.memory_space<vmem>> -> memref<1x1x128xi32, #tpu.memory_space<vmem>>
    %dma_start3A_178 = tpu.memref_squeeze %dma_start3A_177 : memref<1x1x128xi32, #tpu.memory_space<vmem>> -> memref<128xi32, #tpu.memory_space<vmem>>
    %dma_start3A_179 = arith.constant 0 : i32
    %dma_start3A_180 = arith.constant 0 : i32
    %dma_start3A_181 = tpu.memref_slice %arg4[%dma_start3A_179, %dma_start3A_180] : memref<5000x128xf32, #tpu.memory_space<hbm>> -> memref<5000x128xf32, #tpu.memory_space<hbm>>
    tpu.enqueue_indirect_dma source(%dma_start3A_181 : memref<5000x128xf32, #tpu.memory_space<hbm>>) target(%dma_start3A_175 : memref<128x128xf32, #tpu.memory_space<vmem>>) offsets(%dma_start3A_178 : memref<128xi32, #tpu.memory_space<vmem>>) semaphore(%arg15 : memref<!tpu.dma_semaphore, #tpu.memory_space<semaphore_mem>>)
    %dma_wait3A_182 = arith.constant 0 : i32
    %dma_wait3A_183 = arith.constant 0 : i32
    %dma_wait3A_184 = arith.constant 0 : i32
    %dma_wait3A_185 = tpu.memref_slice %arg8[%dma_wait3A_182, %dma_wait3A_183, %dma_wait3A_184] : memref<2x256x64xf32, #tpu.memory_space<vmem>> -> memref<1x256x64xf32, #tpu.memory_space<vmem>>
    %dma_wait3A_186 = tpu.memref_squeeze %dma_wait3A_185 : memref<1x256x64xf32, #tpu.memory_space<vmem>> -> memref<256x64xf32, #tpu.memory_space<vmem>>
    %dma_wait3A_187 = arith.constant 0 : i32
    %dma_wait3A_188 = tpu.memref_slice %arg5[%add3A_25, %dma_wait3A_187] : memref<819200x64xf32, #tpu.memory_space<hbm>> -> memref<256x64xf32, #tpu.memory_space<hbm>>
    %dma_wait3A_189 = arith.constant 0 : i32
    %dma_wait3A_190 = tpu.memref_slice %arg5[%add3A_25, %dma_wait3A_189] : memref<819200x64xf32, #tpu.memory_space<hbm>> -> memref<256x64xf32, #tpu.memory_space<hbm>>
    %dma_wait3A_191 = arith.constant 0 : i32
    %dma_wait3A_192 = arith.constant 0 : i32
    %dma_wait3A_193 = tpu.memref_slice %arg8[%dma_wait3A_182, %dma_wait3A_191, %dma_wait3A_192] : memref<2x256x64xf32, #tpu.memory_space<vmem>> -> memref<1x256x64xf32, #tpu.memory_space<vmem>>
    %dma_wait3A_194 = tpu.memref_squeeze %dma_wait3A_193 : memref<1x256x64xf32, #tpu.memory_space<vmem>> -> memref<256x64xf32, #tpu.memory_space<vmem>>
    tpu.wait_dma2 semaphore(%arg16 : memref<!tpu.dma_semaphore, #tpu.memory_space<semaphore_mem>>) src(%dma_wait3A_194 : memref<256x64xf32, #tpu.memory_space<vmem>>) dst(%dma_wait3A_190 : memref<256x64xf32, #tpu.memory_space<hbm>>)
    %dma_start3A_195 = arith.constant 0 : i32
    %dma_start3A_196 = arith.constant 0 : i32
    %dma_start3A_197 = tpu.memref_slice %arg6[%dma_start3A_195, %dma_start3A_196] : memref<2x256xf32, #tpu.memory_space<vmem>> -> memref<1x256xf32, #tpu.memory_space<vmem>>
    %dma_start3A_198 = tpu.memref_squeeze %dma_start3A_197 : memref<1x256xf32, #tpu.memory_space<vmem>> -> memref<256xf32, #tpu.memory_space<vmem>>
    %dma_start3A_199 = tpu.memref_slice %arg3[%min3A_30] : memref<819200xf32, #tpu.memory_space<hbm>> -> memref<256xf32, #tpu.memory_space<hbm>>
    %dma_start3A_200 = arith.constant 0 : i32
    %dma_start3A_201 = tpu.memref_slice %arg6[%dma_start3A_195, %dma_start3A_200] : memref<2x256xf32, #tpu.memory_space<vmem>> -> memref<1x256xf32, #tpu.memory_space<vmem>>
    %dma_start3A_202 = tpu.memref_squeeze %dma_start3A_201 : memref<1x256xf32, #tpu.memory_space<vmem>> -> memref<256xf32, #tpu.memory_space<vmem>>
    %dma_start3A_203 = tpu.memref_slice %arg3[%min3A_30] : memref<819200xf32, #tpu.memory_space<hbm>> -> memref<256xf32, #tpu.memory_space<hbm>>
    tpu.enqueue_dma source(%dma_start3A_203 : memref<256xf32, #tpu.memory_space<hbm>>) target(%dma_start3A_202 : memref<256xf32, #tpu.memory_space<vmem>>) target_semaphore(%arg10 : memref<!tpu.dma_semaphore, #tpu.memory_space<semaphore_mem>>)
    %dma_start3A_204 = arith.constant 0 : i32
    %dma_start3A_205 = arith.constant 0 : i32
    %dma_start3A_206 = arith.constant 0 : i32
    %dma_start3A_207 = tpu.memref_slice %arg8[%dma_start3A_204, %dma_start3A_205, %dma_start3A_206] : memref<2x256x64xf32, #tpu.memory_space<vmem>> -> memref<1x256x64xf32, #tpu.memory_space<vmem>>
    %dma_start3A_208 = tpu.memref_squeeze %dma_start3A_207 : memref<1x256x64xf32, #tpu.memory_space<vmem>> -> memref<256x64xf32, #tpu.memory_space<vmem>>
    %dma_start3A_209 = arith.constant 0 : i32
    %dma_start3A_210 = tpu.memref_slice %arg2[%min3A_30, %dma_start3A_209] : memref<819200x64xf32, #tpu.memory_space<hbm>> -> memref<256x64xf32, #tpu.memory_space<hbm>>
    %dma_start3A_211 = arith.constant 0 : i32
    %dma_start3A_212 = arith.constant 0 : i32
    %dma_start3A_213 = tpu.memref_slice %arg8[%dma_start3A_204, %dma_start3A_211, %dma_start3A_212] : memref<2x256x64xf32, #tpu.memory_space<vmem>> -> memref<1x256x64xf32, #tpu.memory_space<vmem>>
    %dma_start3A_214 = tpu.memref_squeeze %dma_start3A_213 : memref<1x256x64xf32, #tpu.memory_space<vmem>> -> memref<256x64xf32, #tpu.memory_space<vmem>>
    %dma_start3A_215 = arith.constant 0 : i32
    %dma_start3A_216 = tpu.memref_slice %arg2[%min3A_30, %dma_start3A_215] : memref<819200x64xf32, #tpu.memory_space<hbm>> -> memref<256x64xf32, #tpu.memory_space<hbm>>
    tpu.enqueue_dma source(%dma_start3A_216 : memref<256x64xf32, #tpu.memory_space<hbm>>) target(%dma_start3A_214 : memref<256x64xf32, #tpu.memory_space<vmem>>) target_semaphore(%arg12 : memref<!tpu.dma_semaphore, #tpu.memory_space<semaphore_mem>>)
    %dma_wait3A_217 = arith.constant 1 : i32
    %dma_wait3A_218 = arith.constant 0 : i32
    %dma_wait3A_219 = arith.constant 0 : i32
    %dma_wait3A_220 = tpu.memref_slice %arg8[%dma_wait3A_217, %dma_wait3A_218, %dma_wait3A_219] : memref<2x256x64xf32, #tpu.memory_space<vmem>> -> memref<1x256x64xf32, #tpu.memory_space<vmem>>
    %dma_wait3A_221 = tpu.memref_squeeze %dma_wait3A_220 : memref<1x256x64xf32, #tpu.memory_space<vmem>> -> memref<256x64xf32, #tpu.memory_space<vmem>>
    %dma_wait3A_222 = arith.constant 0 : i32
    %dma_wait3A_223 = tpu.memref_slice %arg2[%add3A_27, %dma_wait3A_222] : memref<819200x64xf32, #tpu.memory_space<hbm>> -> memref<256x64xf32, #tpu.memory_space<hbm>>
    %dma_wait3A_224 = arith.constant 0 : i32
    %dma_wait3A_225 = arith.constant 0 : i32
    %dma_wait3A_226 = tpu.memref_slice %arg8[%dma_wait3A_217, %dma_wait3A_224, %dma_wait3A_225] : memref<2x256x64xf32, #tpu.memory_space<vmem>> -> memref<1x256x64xf32, #tpu.memory_space<vmem>>
    %dma_wait3A_227 = tpu.memref_squeeze %dma_wait3A_226 : memref<1x256x64xf32, #tpu.memory_space<vmem>> -> memref<256x64xf32, #tpu.memory_space<vmem>>
    %dma_wait3A_228 = arith.constant 0 : i32
    %dma_wait3A_229 = tpu.memref_slice %arg2[%add3A_27, %dma_wait3A_228] : memref<819200x64xf32, #tpu.memory_space<hbm>> -> memref<256x64xf32, #tpu.memory_space<hbm>>
    tpu.wait_dma2 semaphore(%arg13 : memref<!tpu.dma_semaphore, #tpu.memory_space<semaphore_mem>>) src(%dma_wait3A_229 : memref<256x64xf32, #tpu.memory_space<hbm>>) dst(%dma_wait3A_227 : memref<256x64xf32, #tpu.memory_space<vmem>>)
    %dma_wait3A_230 = arith.constant 1 : i32
    %dma_wait3A_231 = arith.constant 0 : i32
    %dma_wait3A_232 = arith.constant 0 : i32
    %dma_wait3A_233 = arith.constant 0 : i32
    %dma_wait3A_234 = tpu.memref_slice %arg9[%dma_wait3A_232, %dma_wait3A_233] : memref<256x128xf32, #tpu.memory_space<vmem>> -> memref<128x128xf32, #tpu.memory_space<vmem>>
    %dma_wait3A_235 = arith.constant 0 : i32
    %dma_wait3A_236 = tpu.memref_slice %arg7[%dma_wait3A_230, %dma_wait3A_231, %dma_wait3A_235] : memref<2x2x128xi32, #tpu.memory_space<vmem>> -> memref<1x1x128xi32, #tpu.memory_space<vmem>>
    %dma_wait3A_237 = tpu.memref_squeeze %dma_wait3A_236 : memref<1x1x128xi32, #tpu.memory_space<vmem>> -> memref<128xi32, #tpu.memory_space<vmem>>
    %dma_wait3A_238 = arith.constant 0 : i32
    %dma_wait3A_239 = arith.constant 0 : i32
    %dma_wait3A_240 = tpu.memref_slice %arg4[%dma_wait3A_238, %dma_wait3A_239] : memref<5000x128xf32, #tpu.memory_space<hbm>> -> memref<5000x128xf32, #tpu.memory_space<hbm>>
    tpu.wait_indirect_dma semaphore(%arg15 : memref<!tpu.dma_semaphore, #tpu.memory_space<semaphore_mem>>) src(%dma_wait3A_240 : memref<5000x128xf32, #tpu.memory_space<hbm>>) dst(%dma_wait3A_234 : memref<128x128xf32, #tpu.memory_space<vmem>>)
    %dma_wait3A_241 = arith.constant 1 : i32
    %dma_wait3A_242 = arith.constant 1 : i32
    %dma_wait3A_243 = arith.constant 128 : i32
    %dma_wait3A_244 = arith.constant 0 : i32
    %dma_wait3A_245 = tpu.memref_slice %arg9[%dma_wait3A_243, %dma_wait3A_244] : memref<256x128xf32, #tpu.memory_space<vmem>> -> memref<128x128xf32, #tpu.memory_space<vmem>>
    %dma_wait3A_246 = arith.constant 0 : i32
    %dma_wait3A_247 = tpu.memref_slice %arg7[%dma_wait3A_241, %dma_wait3A_242, %dma_wait3A_246] : memref<2x2x128xi32, #tpu.memory_space<vmem>> -> memref<1x1x128xi32, #tpu.memory_space<vmem>>
    %dma_wait3A_248 = tpu.memref_squeeze %dma_wait3A_247 : memref<1x1x128xi32, #tpu.memory_space<vmem>> -> memref<128xi32, #tpu.memory_space<vmem>>
    %dma_wait3A_249 = arith.constant 0 : i32
    %dma_wait3A_250 = arith.constant 0 : i32
    %dma_wait3A_251 = tpu.memref_slice %arg4[%dma_wait3A_249, %dma_wait3A_250] : memref<5000x128xf32, #tpu.memory_space<hbm>> -> memref<5000x128xf32, #tpu.memory_space<hbm>>
    tpu.wait_indirect_dma semaphore(%arg15 : memref<!tpu.dma_semaphore, #tpu.memory_space<semaphore_mem>>) src(%dma_wait3A_251 : memref<5000x128xf32, #tpu.memory_space<hbm>>) dst(%dma_wait3A_245 : memref<128x128xf32, #tpu.memory_space<vmem>>)
    %scan3A_252 = arith.constant 0 : i32
    %scan3A_253 = arith.constant 0 : i32
    %scan3A_254 = arith.constant 256 : i32
    %scan3A_255 = arith.addi %scan3A_253, %scan3A_254 : i32
    %scan3A_256 = arith.constant 1 : i32
    %scan3A_257 = scf.for %scan3A_320 = %scan3A_253 to %scan3A_255 step %scan3A_256 iter_args(%scan3A_321 = %scan3A_252) -> (i32)  : i32 {
      %get3A = arith.index_cast %scan3A_320 : i32 to index
      %get3A_322 = arith.constant 0 : index
      %get3A_323 = tpu.vector_load %arg9[%get3A, %get3A_322] {strides = array<i32>} : memref<256x128xf32, #tpu.memory_space<vmem>>, vector<1x16xf32>,
      %get3A_324 = vector.shape_cast %get3A_323 : vector<1x16xf32> to vector<16xf32>
      %swap3A = arith.constant 1 : i32
      %swap3A_325 = arith.index_cast %swap3A : i32 to index
      %swap3A_326 = arith.index_cast %scan3A_320 : i32 to index
      %swap3A_327 = arith.constant 0 : index
      %swap3A_328 = tpu.vector_load %arg8[%swap3A_325, %swap3A_326, %swap3A_327] {strides = array<i32>} : memref<2x256x64xf32, #tpu.memory_space<vmem>>, vector<1x1x16xf32>,
      %swap3A_329 = vector.shape_cast %swap3A_328 : vector<1x1x16xf32> to vector<16xf32>
      %swap3A_330 = vector.shape_cast %get3A_324 : vector<16xf32> to vector<1x1x16xf32>
      tpu.vector_store %arg8[%swap3A_325, %swap3A_326, %swap3A_327], %swap3A_330 {add = true, strides = array<i32>} : memref<2x256x64xf32, #tpu.memory_space<vmem>>, vector<1x1x16xf32>,
      %get3A_331 = arith.index_cast %scan3A_320 : i32 to index
      %get3A_332 = arith.constant 16 : index
      %get3A_333 = tpu.vector_load %arg9[%get3A_331, %get3A_332] {strides = array<i32>} : memref<256x128xf32, #tpu.memory_space<vmem>>, vector<1x16xf32>,
      %get3A_334 = vector.shape_cast %get3A_333 : vector<1x16xf32> to vector<16xf32>
      %swap3A_335 = arith.constant 1 : i32
      %swap3A_336 = arith.index_cast %swap3A_335 : i32 to index
      %swap3A_337 = arith.index_cast %scan3A_320 : i32 to index
      %swap3A_338 = arith.constant 16 : index
      %swap3A_339 = tpu.vector_load %arg8[%swap3A_336, %swap3A_337, %swap3A_338] {strides = array<i32>} : memref<2x256x64xf32, #tpu.memory_space<vmem>>, vector<1x1x16xf32>,
      %swap3A_340 = vector.shape_cast %swap3A_339 : vector<1x1x16xf32> to vector<16xf32>
      %swap3A_341 = vector.shape_cast %get3A_334 : vector<16xf32> to vector<1x1x16xf32>
      tpu.vector_store %arg8[%swap3A_336, %swap3A_337, %swap3A_338], %swap3A_341 {add = true, strides = array<i32>} : memref<2x256x64xf32, #tpu.memory_space<vmem>>, vector<1x1x16xf32>,
      %get3A_342 = arith.index_cast %scan3A_320 : i32 to index
      %get3A_343 = arith.constant 32 : index
      %get3A_344 = tpu.vector_load %arg9[%get3A_342, %get3A_343] {strides = array<i32>} : memref<256x128xf32, #tpu.memory_space<vmem>>, vector<1x16xf32>,
      %get3A_345 = vector.shape_cast %get3A_344 : vector<1x16xf32> to vector<16xf32>
      %swap3A_346 = arith.constant 1 : i32
      %swap3A_347 = arith.index_cast %swap3A_346 : i32 to index
      %swap3A_348 = arith.index_cast %scan3A_320 : i32 to index
      %swap3A_349 = arith.constant 32 : index
      %swap3A_350 = tpu.vector_load %arg8[%swap3A_347, %swap3A_348, %swap3A_349] {strides = array<i32>} : memref<2x256x64xf32, #tpu.memory_space<vmem>>, vector<1x1x16xf32>,
      %swap3A_351 = vector.shape_cast %swap3A_350 : vector<1x1x16xf32> to vector<16xf32>
      %swap3A_352 = vector.shape_cast %get3A_345 : vector<16xf32> to vector<1x1x16xf32>
      tpu.vector_store %arg8[%swap3A_347, %swap3A_348, %swap3A_349], %swap3A_352 {add = true, strides = array<i32>} : memref<2x256x64xf32, #tpu.memory_space<vmem>>, vector<1x1x16xf32>,
      %get3A_353 = arith.index_cast %scan3A_320 : i32 to index
      %get3A_354 = arith.constant 48 : index
      %get3A_355 = tpu.vector_load %arg9[%get3A_353, %get3A_354] {strides = array<i32>} : memref<256x128xf32, #tpu.memory_space<vmem>>, vector<1x16xf32>,
      %get3A_356 = vector.shape_cast %get3A_355 : vector<1x16xf32> to vector<16xf32>
      %swap3A_357 = arith.constant 1 : i32
      %swap3A_358 = arith.index_cast %swap3A_357 : i32 to index
      %swap3A_359 = arith.index_cast %scan3A_320 : i32 to index
      %swap3A_360 = arith.constant 48 : index
      %swap3A_361 = tpu.vector_load %arg8[%swap3A_358, %swap3A_359, %swap3A_360] {strides = array<i32>} : memref<2x256x64xf32, #tpu.memory_space<vmem>>, vector<1x1x16xf32>,
      %swap3A_362 = vector.shape_cast %swap3A_361 : vector<1x1x16xf32> to vector<16xf32>
      %swap3A_363 = vector.shape_cast %get3A_356 : vector<16xf32> to vector<1x1x16xf32>
      tpu.vector_store %arg8[%swap3A_358, %swap3A_359, %swap3A_360], %swap3A_363 {add = true, strides = array<i32>} : memref<2x256x64xf32, #tpu.memory_space<vmem>>, vector<1x1x16xf32>,
      %scan3A_364 = arith.constant 0 : i32
      scf.yield %scan3A_364 : i32
    }
    %scan3A_258 = arith.constant 256 : i32
    %dma_start3A_259 = arith.constant 1 : i32
    %dma_start3A_260 = arith.constant 0 : i32
    %dma_start3A_261 = arith.constant 0 : i32
    %dma_start3A_262 = tpu.memref_slice %arg8[%dma_start3A_259, %dma_start3A_260, %dma_start3A_261] : memref<2x256x64xf32, #tpu.memory_space<vmem>> -> memref<1x256x64xf32, #tpu.memory_space<vmem>>
    %dma_start3A_263 = tpu.memref_squeeze %dma_start3A_262 : memref<1x256x64xf32, #tpu.memory_space<vmem>> -> memref<256x64xf32, #tpu.memory_space<vmem>>
    %dma_start3A_264 = arith.constant 0 : i32
    %dma_start3A_265 = tpu.memref_slice %arg5[%add3A_27, %dma_start3A_264] : memref<819200x64xf32, #tpu.memory_space<hbm>> -> memref<256x64xf32, #tpu.memory_space<hbm>>
    %dma_start3A_266 = arith.constant 0 : i32
    %dma_start3A_267 = tpu.memref_slice %arg5[%add3A_27, %dma_start3A_266] : memref<819200x64xf32, #tpu.memory_space<hbm>> -> memref<256x64xf32, #tpu.memory_space<hbm>>
    %dma_start3A_268 = arith.constant 0 : i32
    %dma_start3A_269 = arith.constant 0 : i32
    %dma_start3A_270 = tpu.memref_slice %arg8[%dma_start3A_259, %dma_start3A_268, %dma_start3A_269] : memref<2x256x64xf32, #tpu.memory_space<vmem>> -> memref<1x256x64xf32, #tpu.memory_space<vmem>>
    %dma_start3A_271 = tpu.memref_squeeze %dma_start3A_270 : memref<1x256x64xf32, #tpu.memory_space<vmem>> -> memref<256x64xf32, #tpu.memory_space<vmem>>
    tpu.enqueue_dma source(%dma_start3A_271 : memref<256x64xf32, #tpu.memory_space<vmem>>) target(%dma_start3A_267 : memref<256x64xf32, #tpu.memory_space<hbm>>) target_semaphore(%arg17 : memref<!tpu.dma_semaphore, #tpu.memory_space<semaphore_mem>>)
    %scan3A_272 = arith.constant 0 : i32
    %scan3A_273 = arith.constant 1 : i32
    %scan3A_274 = arith.constant 49 : i32
    %scan3A_275 = arith.addi %scan3A_273, %scan3A_274 : i32
    %scan3A_276 = arith.constant 1 : i32
    scf.for %scan3A_320 = %scan3A_273 to %scan3A_275 step %scan3A_276  : i32 {
      %mul3A_321 = arith.constant 2 : i32
      %mul3A_322 = arith.muli %mul3A_321, %scan3A_320 : i32
      %mul3A_323 = arith.constant 256 : i32
      %mul3A_324 = arith.muli %mul3A_322, %mul3A_323 : i32
      %add3A_325 = arith.addi %mul3A_2, %mul3A_324 : i32
      %add3A_326 = arith.constant 256 : i32
      %add3A_327 = arith.addi %add3A_325, %add3A_326 : i32
      %add3A_328 = arith.constant 512 : i32
      %add3A_329 = arith.addi %add3A_325, %add3A_328 : i32
      %min3A_330 = arith.constant 818944 : i32
      %min3A_331 = arith.minsi %add3A_329, %min3A_330 : i32
      %sub3A_332 = arith.constant 512 : i32
      %sub3A_333 = arith.subi %add3A_327, %sub3A_332 : i32
      %dma_wait3A_334 = arith.constant 1 : i32
      %dma_wait3A_335 = arith.constant 0 : i32
      %dma_wait3A_336 = arith.constant 0 : i32
      %dma_wait3A_337 = tpu.memref_slice %arg8[%dma_wait3A_334, %dma_wait3A_335, %dma_wait3A_336] : memref<2x256x64xf32, #tpu.memory_space<vmem>> -> memref<1x256x64xf32, #tpu.memory_space<vmem>>
      %dma_wait3A_338 = tpu.memref_squeeze %dma_wait3A_337 : memref<1x256x64xf32, #tpu.memory_space<vmem>> -> memref<256x64xf32, #tpu.memory_space<vmem>>
      %dma_wait3A_339 = arith.constant 0 : i32
      %dma_wait3A_340 = tpu.memref_slice %arg5[%sub3A_333, %dma_wait3A_339] : memref<819200x64xf32, #tpu.memory_space<hbm>> -> memref<256x64xf32, #tpu.memory_space<hbm>>
      %dma_wait3A_341 = arith.constant 0 : i32
      %dma_wait3A_342 = tpu.memref_slice %arg5[%sub3A_333, %dma_wait3A_341] : memref<819200x64xf32, #tpu.memory_space<hbm>> -> memref<256x64xf32, #tpu.memory_space<hbm>>
      %dma_wait3A_343 = arith.constant 0 : i32
      %dma_wait3A_344 = arith.constant 0 : i32
      %dma_wait3A_345 = tpu.memref_slice %arg8[%dma_wait3A_334, %dma_wait3A_343, %dma_wait3A_344] : memref<2x256x64xf32, #tpu.memory_space<vmem>> -> memref<1x256x64xf32, #tpu.memory_space<vmem>>
      %dma_wait3A_346 = tpu.memref_squeeze %dma_wait3A_345 : memref<1x256x64xf32, #tpu.memory_space<vmem>> -> memref<256x64xf32, #tpu.memory_space<vmem>>
      tpu.wait_dma2 semaphore(%arg17 : memref<!tpu.dma_semaphore, #tpu.memory_space<semaphore_mem>>) src(%dma_wait3A_346 : memref<256x64xf32, #tpu.memory_space<vmem>>) dst(%dma_wait3A_342 : memref<256x64xf32, #tpu.memory_space<hbm>>)
      %dma_start3A_347 = arith.constant 1 : i32
      %dma_start3A_348 = arith.constant 0 : i32
      %dma_start3A_349 = tpu.memref_slice %arg6[%dma_start3A_347, %dma_start3A_348] : memref<2x256xf32, #tpu.memory_space<vmem>> -> memref<1x256xf32, #tpu.memory_space<vmem>>
      %dma_start3A_350 = tpu.memref_squeeze %dma_start3A_349 : memref<1x256xf32, #tpu.memory_space<vmem>> -> memref<256xf32, #tpu.memory_space<vmem>>
      %dma_start3A_351 = tpu.memref_slice %arg3[%add3A_327] : memref<819200xf32, #tpu.memory_space<hbm>> -> memref<256xf32, #tpu.memory_space<hbm>>
      %dma_start3A_352 = arith.constant 0 : i32
      %dma_start3A_353 = tpu.memref_slice %arg6[%dma_start3A_347, %dma_start3A_352] : memref<2x256xf32, #tpu.memory_space<vmem>> -> memref<1x256xf32, #tpu.memory_space<vmem>>
      %dma_start3A_354 = tpu.memref_squeeze %dma_start3A_353 : memref<1x256xf32, #tpu.memory_space<vmem>> -> memref<256xf32, #tpu.memory_space<vmem>>
      %dma_start3A_355 = tpu.memref_slice %arg3[%add3A_327] : memref<819200xf32, #tpu.memory_space<hbm>> -> memref<256xf32, #tpu.memory_space<hbm>>
      tpu.enqueue_dma source(%dma_start3A_355 : memref<256xf32, #tpu.memory_space<hbm>>) target(%dma_start3A_354 : memref<256xf32, #tpu.memory_space<vmem>>) target_semaphore(%arg11 : memref<!tpu.dma_semaphore, #tpu.memory_space<semaphore_mem>>)
      %dma_start3A_356 = arith.constant 1 : i32
      %dma_start3A_357 = arith.constant 0 : i32
      %dma_start3A_358 = arith.constant 0 : i32
      %dma_start3A_359 = tpu.memref_slice %arg8[%dma_start3A_356, %dma_start3A_357, %dma_start3A_358] : memref<2x256x64xf32, #tpu.memory_space<vmem>> -> memref<1x256x64xf32, #tpu.memory_space<vmem>>
      %dma_start3A_360 = tpu.memref_squeeze %dma_start3A_359 : memref<1x256x64xf32, #tpu.memory_space<vmem>> -> memref<256x64xf32, #tpu.memory_space<vmem>>
      %dma_start3A_361 = arith.constant 0 : i32
      %dma_start3A_362 = tpu.memref_slice %arg2[%add3A_327, %dma_start3A_361] : memref<819200x64xf32, #tpu.memory_space<hbm>> -> memref<256x64xf32, #tpu.memory_space<hbm>>
      %dma_start3A_363 = arith.constant 0 : i32
      %dma_start3A_364 = arith.constant 0 : i32
      %dma_start3A_365 = tpu.memref_slice %arg8[%dma_start3A_356, %dma_start3A_363, %dma_start3A_364] : memref<2x256x64xf32, #tpu.memory_space<vmem>> -> memref<1x256x64xf32, #tpu.memory_space<vmem>>
      %dma_start3A_366 = tpu.memref_squeeze %dma_start3A_365 : memref<1x256x64xf32, #tpu.memory_space<vmem>> -> memref<256x64xf32, #tpu.memory_space<vmem>>
      %dma_start3A_367 = arith.constant 0 : i32
      %dma_start3A_368 = tpu.memref_slice %arg2[%add3A_327, %dma_start3A_367] : memref<819200x64xf32, #tpu.memory_space<hbm>> -> memref<256x64xf32, #tpu.memory_space<hbm>>
      tpu.enqueue_dma source(%dma_start3A_368 : memref<256x64xf32, #tpu.memory_space<hbm>>) target(%dma_start3A_366 : memref<256x64xf32, #tpu.memory_space<vmem>>) target_semaphore(%arg13 : memref<!tpu.dma_semaphore, #tpu.memory_space<semaphore_mem>>)
      %dma_wait3A_369 = arith.constant 0 : i32
      %dma_wait3A_370 = arith.constant 0 : i32
      %dma_wait3A_371 = tpu.memref_slice %arg6[%dma_wait3A_369, %dma_wait3A_370] : memref<2x256xf32, #tpu.memory_space<vmem>> -> memref<1x256xf32, #tpu.memory_space<vmem>>
      %dma_wait3A_372 = tpu.memref_squeeze %dma_wait3A_371 : memref<1x256xf32, #tpu.memory_space<vmem>> -> memref<256xf32, #tpu.memory_space<vmem>>
      %dma_wait3A_373 = tpu.memref_slice %arg3[%add3A_325] : memref<819200xf32, #tpu.memory_space<hbm>> -> memref<256xf32, #tpu.memory_space<hbm>>
      %dma_wait3A_374 = arith.constant 0 : i32
      %dma_wait3A_375 = tpu.memref_slice %arg6[%dma_wait3A_369, %dma_wait3A_374] : memref<2x256xf32, #tpu.memory_space<vmem>> -> memref<1x256xf32, #tpu.memory_space<vmem>>
      %dma_wait3A_376 = tpu.memref_squeeze %dma_wait3A_375 : memref<1x256xf32, #tpu.memory_space<vmem>> -> memref<256xf32, #tpu.memory_space<vmem>>
      %dma_wait3A_377 = tpu.memref_slice %arg3[%add3A_325] : memref<819200xf32, #tpu.memory_space<hbm>> -> memref<256xf32, #tpu.memory_space<hbm>>
      tpu.wait_dma2 semaphore(%arg10 : memref<!tpu.dma_semaphore, #tpu.memory_space<semaphore_mem>>) src(%dma_wait3A_377 : memref<256xf32, #tpu.memory_space<hbm>>) dst(%dma_wait3A_376 : memref<256xf32, #tpu.memory_space<vmem>>)
      %scan3A_378 = arith.constant 0 : i32
      %scan3A_379 = arith.constant 0 : i32
      %scan3A_380 = arith.constant 16 : i32
      %scan3A_381 = arith.addi %scan3A_379, %scan3A_380 : i32
      %scan3A_382 = arith.constant 1 : i32
      %scan3A_383 = scf.for %scan3A_590 = %scan3A_379 to %scan3A_381 step %scan3A_382 iter_args(%scan3A_591 = %scan3A_378) -> (i32)  : i32 {
        %mul3A_592 = arith.constant 16 : i32
        %mul3A_593 = arith.muli %scan3A_590, %mul3A_592 : i32
        %get3A = arith.constant 0 : i32
        %get3A_594 = arith.index_cast %get3A : i32 to index
        %get3A_595 = arith.index_cast %mul3A_593 : i32 to index
        %get3A_596 = tpu.vector_load %arg6[%get3A_594, %get3A_595] {strides = array<i32>} : memref<2x256xf32, #tpu.memory_space<vmem>>, vector<1x16xf32>,
        %get3A_597 = vector.shape_cast %get3A_596 : vector<1x16xf32> to vector<16xf32>
        %mul3A_598 = arith.constant 5.000000e+03 : f32
        %mul3A_599 = vector.broadcast %mul3A_598 : f32 to vector<16xf32>
        %mul3A_600 = arith.mulf %get3A_597, %mul3A_599 : vector<16xf32>
        %convert_element_type3A = arith.fptosi %mul3A_600 : vector<16xf32> to vector<16xi32>
        %jit3A = arith.constant 8 : i32
        %div3A = arith.divsi %scan3A_590, %jit3A : i32
        %sign3A = arith.constant 0 : i32
        %sign3A_601 = arith.cmpi sgt, %scan3A_590, %sign3A : i32
        %sign3A_602 = arith.extui %sign3A_601 : i1 to i32
        %sign3A_603 = arith.constant 0 : i32
        %sign3A_604 = arith.cmpi slt, %scan3A_590, %sign3A_603 : i32
        %sign3A_605 = arith.extui %sign3A_604 : i1 to i32
        %sign3A_606 = arith.subi %sign3A_602, %sign3A_605 : i32
        %sign3A_607 = arith.constant 0 : i32
        %sign3A_608 = arith.cmpi sgt, %jit3A, %sign3A_607 : i32
        %sign3A_609 = arith.extui %sign3A_608 : i1 to i32
        %sign3A_610 = arith.constant 0 : i32
        %sign3A_611 = arith.cmpi slt, %jit3A, %sign3A_610 : i32
        %sign3A_612 = arith.extui %sign3A_611 : i1 to i32
        %sign3A_613 = arith.subi %sign3A_609, %sign3A_612 : i32
        %ne3A = arith.cmpi ne, %sign3A_606, %sign3A_613 : i32
        %rem3A = arith.remsi %scan3A_590, %jit3A : i32
        %ne3A_614 = arith.constant 0 : i32
        %ne3A_615 = arith.cmpi ne, %rem3A, %ne3A_614 : i32
        %and3A = arith.andi %ne3A, %ne3A_615 : i1
        %sub3A_616 = arith.constant 1 : i32
        %sub3A_617 = arith.subi %div3A, %sub3A_616 : i32
        %select_n3A = arith.select %and3A, %sub3A_617, %div3A : i32
        %jit3A_618 = arith.constant 8 : i32
        %eq3A = arith.constant 0 : i32
        %eq3A_619 = arith.cmpi eq, %jit3A_618, %eq3A : i32
        %jit3A_620 = arith.constant 1 : i32
        %select_n3A_621 = arith.select %eq3A_619, %jit3A_620, %jit3A_618 : i32
        %rem3A_622 = arith.remsi %scan3A_590, %select_n3A_621 : i32
        %ne3A_623 = arith.constant 0 : i32
        %ne3A_624 = arith.cmpi ne, %rem3A_622, %ne3A_623 : i32
        %lt3A = arith.constant 0 : i32
        %lt3A_625 = arith.cmpi slt, %rem3A_622, %lt3A : i32
        %lt3A_626 = arith.constant 0 : i32
        %lt3A_627 = arith.cmpi slt, %select_n3A_621, %lt3A_626 : i32
        %ne3A_628 = arith.xori %lt3A_625, %lt3A_627 : i1
        %and3A_629 = arith.andi %ne3A_628, %ne3A_624 : i1
        %add3A_630 = arith.addi %rem3A_622, %select_n3A_621 : i32
        %select_n3A_631 = arith.select %and3A_629, %add3A_630, %rem3A_622 : i32
        %mul3A_632 = arith.constant 16 : i32
        %mul3A_633 = arith.muli %select_n3A_631, %mul3A_632 : i32
        %swap3A = arith.constant 0 : i32
        %swap3A_634 = arith.index_cast %swap3A : i32 to index
        %swap3A_635 = arith.index_cast %select_n3A : i32 to index
        %swap3A_636 = arith.index_cast %mul3A_633 : i32 to index
        %swap3A_637 = tpu.vector_load %arg7[%swap3A_634, %swap3A_635, %swap3A_636] {strides = array<i32>} : memref<2x2x128xi32, #tpu.memory_space<vmem>>, vector<1x1x16xi32>,
        %swap3A_638 = vector.shape_cast %swap3A_637 : vector<1x1x16xi32> to vector<16xi32>
        %swap3A_639 = vector.shape_cast %convert_element_type3A : vector<16xi32> to vector<1x1x16xi32>
        tpu.vector_store %arg7[%swap3A_634, %swap3A_635, %swap3A_636], %swap3A_639 {strides = array<i32>} : memref<2x2x128xi32, #tpu.memory_space<vmem>>, vector<1x1x16xi32>,
        %scan3A_640 = arith.constant 0 : i32
        scf.yield %scan3A_640 : i32
      }
      %scan3A_384 = arith.constant 16 : i32
      %dma_start3A_385 = arith.constant 0 : i32
      %dma_start3A_386 = arith.constant 0 : i32
      %dma_start3A_387 = arith.constant 0 : i32
      %dma_start3A_388 = arith.constant 0 : i32
      %dma_start3A_389 = tpu.memref_slice %arg9[%dma_start3A_387, %dma_start3A_388] : memref<256x128xf32, #tpu.memory_space<vmem>> -> memref<128x128xf32, #tpu.memory_space<vmem>>
      %dma_start3A_390 = arith.constant 0 : i32
      %dma_start3A_391 = tpu.memref_slice %arg7[%dma_start3A_385, %dma_start3A_386, %dma_start3A_390] : memref<2x2x128xi32, #tpu.memory_space<vmem>> -> memref<1x1x128xi32, #tpu.memory_space<vmem>>
      %dma_start3A_392 = tpu.memref_squeeze %dma_start3A_391 : memref<1x1x128xi32, #tpu.memory_space<vmem>> -> memref<128xi32, #tpu.memory_space<vmem>>
      %dma_start3A_393 = arith.constant 0 : i32
      %dma_start3A_394 = arith.constant 0 : i32
      %dma_start3A_395 = tpu.memref_slice %arg4[%dma_start3A_393, %dma_start3A_394] : memref<5000x128xf32, #tpu.memory_space<hbm>> -> memref<5000x128xf32, #tpu.memory_space<hbm>>
      tpu.enqueue_indirect_dma source(%dma_start3A_395 : memref<5000x128xf32, #tpu.memory_space<hbm>>) target(%dma_start3A_389 : memref<128x128xf32, #tpu.memory_space<vmem>>) offsets(%dma_start3A_392 : memref<128xi32, #tpu.memory_space<vmem>>) semaphore(%arg14 : memref<!tpu.dma_semaphore, #tpu.memory_space<semaphore_mem>>)
      %dma_start3A_396 = arith.constant 0 : i32
      %dma_start3A_397 = arith.constant 1 : i32
      %dma_start3A_398 = arith.constant 128 : i32
      %dma_start3A_399 = arith.constant 0 : i32
      %dma_start3A_400 = tpu.memref_slice %arg9[%dma_start3A_398, %dma_start3A_399] : memref<256x128xf32, #tpu.memory_space<vmem>> -> memref<128x128xf32, #tpu.memory_space<vmem>>
      %dma_start3A_401 = arith.constant 0 : i32
      %dma_start3A_402 = tpu.memref_slice %arg7[%dma_start3A_396, %dma_start3A_397, %dma_start3A_401] : memref<2x2x128xi32, #tpu.memory_space<vmem>> -> memref<1x1x128xi32, #tpu.memory_space<vmem>>
      %dma_start3A_403 = tpu.memref_squeeze %dma_start3A_402 : memref<1x1x128xi32, #tpu.memory_space<vmem>> -> memref<128xi32, #tpu.memory_space<vmem>>
      %dma_start3A_404 = arith.constant 0 : i32
      %dma_start3A_405 = arith.constant 0 : i32
      %dma_start3A_406 = tpu.memref_slice %arg4[%dma_start3A_404, %dma_start3A_405] : memref<5000x128xf32, #tpu.memory_space<hbm>> -> memref<5000x128xf32, #tpu.memory_space<hbm>>
      tpu.enqueue_indirect_dma source(%dma_start3A_406 : memref<5000x128xf32, #tpu.memory_space<hbm>>) target(%dma_start3A_400 : memref<128x128xf32, #tpu.memory_space<vmem>>) offsets(%dma_start3A_403 : memref<128xi32, #tpu.memory_space<vmem>>) semaphore(%arg14 : memref<!tpu.dma_semaphore, #tpu.memory_space<semaphore_mem>>)
      %dma_wait3A_407 = arith.constant 0 : i32
      %dma_wait3A_408 = arith.constant 0 : i32
      %dma_wait3A_409 = arith.constant 0 : i32
      %dma_wait3A_410 = tpu.memref_slice %arg8[%dma_wait3A_407, %dma_wait3A_408, %dma_wait3A_409] : memref<2x256x64xf32, #tpu.memory_space<vmem>> -> memref<1x256x64xf32, #tpu.memory_space<vmem>>
      %dma_wait3A_411 = tpu.memref_squeeze %dma_wait3A_410 : memref<1x256x64xf32, #tpu.memory_space<vmem>> -> memref<256x64xf32, #tpu.memory_space<vmem>>
      %dma_wait3A_412 = arith.constant 0 : i32
      %dma_wait3A_413 = tpu.memref_slice %arg2[%add3A_325, %dma_wait3A_412] : memref<819200x64xf32, #tpu.memory_space<hbm>> -> memref<256x64xf32, #tpu.memory_space<hbm>>
      %dma_wait3A_414 = arith.constant 0 : i32
      %dma_wait3A_415 = arith.constant 0 : i32
      %dma_wait3A_416 = tpu.memref_slice %arg8[%dma_wait3A_407, %dma_wait3A_414, %dma_wait3A_415] : memref<2x256x64xf32, #tpu.memory_space<vmem>> -> memref<1x256x64xf32, #tpu.memory_space<vmem>>
      %dma_wait3A_417 = tpu.memref_squeeze %dma_wait3A_416 : memref<1x256x64xf32, #tpu.memory_space<vmem>> -> memref<256x64xf32, #tpu.memory_space<vmem>>
      %dma_wait3A_418 = arith.constant 0 : i32
      %dma_wait3A_419 = tpu.memref_slice %arg2[%add3A_325, %dma_wait3A_418] : memref<819200x64xf32, #tpu.memory_space<hbm>> -> memref<256x64xf32, #tpu.memory_space<hbm>>
      tpu.wait_dma2 semaphore(%arg12 : memref<!tpu.dma_semaphore, #tpu.memory_space<semaphore_mem>>) src(%dma_wait3A_419 : memref<256x64xf32, #tpu.memory_space<hbm>>) dst(%dma_wait3A_417 : memref<256x64xf32, #tpu.memory_space<vmem>>)
      %dma_wait3A_420 = arith.constant 0 : i32
      %dma_wait3A_421 = arith.constant 0 : i32
      %dma_wait3A_422 = arith.constant 0 : i32
      %dma_wait3A_423 = arith.constant 0 : i32
      %dma_wait3A_424 = tpu.memref_slice %arg9[%dma_wait3A_422, %dma_wait3A_423] : memref<256x128xf32, #tpu.memory_space<vmem>> -> memref<128x128xf32, #tpu.memory_space<vmem>>
      %dma_wait3A_425 = arith.constant 0 : i32
      %dma_wait3A_426 = tpu.memref_slice %arg7[%dma_wait3A_420, %dma_wait3A_421, %dma_wait3A_425] : memref<2x2x128xi32, #tpu.memory_space<vmem>> -> memref<1x1x128xi32, #tpu.memory_space<vmem>>
      %dma_wait3A_427 = tpu.memref_squeeze %dma_wait3A_426 : memref<1x1x128xi32, #tpu.memory_space<vmem>> -> memref<128xi32, #tpu.memory_space<vmem>>
      %dma_wait3A_428 = arith.constant 0 : i32
      %dma_wait3A_429 = arith.constant 0 : i32
      %dma_wait3A_430 = tpu.memref_slice %arg4[%dma_wait3A_428, %dma_wait3A_429] : memref<5000x128xf32, #tpu.memory_space<hbm>> -> memref<5000x128xf32, #tpu.memory_space<hbm>>
      tpu.wait_indirect_dma semaphore(%arg14 : memref<!tpu.dma_semaphore, #tpu.memory_space<semaphore_mem>>) src(%dma_wait3A_430 : memref<5000x128xf32, #tpu.memory_space<hbm>>) dst(%dma_wait3A_424 : memref<128x128xf32, #tpu.memory_space<vmem>>)
      %dma_wait3A_431 = arith.constant 0 : i32
      %dma_wait3A_432 = arith.constant 1 : i32
      %dma_wait3A_433 = arith.constant 128 : i32
      %dma_wait3A_434 = arith.constant 0 : i32
      %dma_wait3A_435 = tpu.memref_slice %arg9[%dma_wait3A_433, %dma_wait3A_434] : memref<256x128xf32, #tpu.memory_space<vmem>> -> memref<128x128xf32, #tpu.memory_space<vmem>>
      %dma_wait3A_436 = arith.constant 0 : i32
      %dma_wait3A_437 = tpu.memref_slice %arg7[%dma_wait3A_431, %dma_wait3A_432, %dma_wait3A_436] : memref<2x2x128xi32, #tpu.memory_space<vmem>> -> memref<1x1x128xi32, #tpu.memory_space<vmem>>
      %dma_wait3A_438 = tpu.memref_squeeze %dma_wait3A_437 : memref<1x1x128xi32, #tpu.memory_space<vmem>> -> memref<128xi32, #tpu.memory_space<vmem>>
      %dma_wait3A_439 = arith.constant 0 : i32
      %dma_wait3A_440 = arith.constant 0 : i32
      %dma_wait3A_441 = tpu.memref_slice %arg4[%dma_wait3A_439, %dma_wait3A_440] : memref<5000x128xf32, #tpu.memory_space<hbm>> -> memref<5000x128xf32, #tpu.memory_space<hbm>>
      tpu.wait_indirect_dma semaphore(%arg14 : memref<!tpu.dma_semaphore, #tpu.memory_space<semaphore_mem>>) src(%dma_wait3A_441 : memref<5000x128xf32, #tpu.memory_space<hbm>>) dst(%dma_wait3A_435 : memref<128x128xf32, #tpu.memory_space<vmem>>)
      %scan3A_442 = arith.constant 0 : i32
      %scan3A_443 = arith.constant 0 : i32
      %scan3A_444 = arith.constant 256 : i32
      %scan3A_445 = arith.addi %scan3A_443, %scan3A_444 : i32
      %scan3A_446 = arith.constant 1 : i32
      %scan3A_447 = scf.for %scan3A_590 = %scan3A_443 to %scan3A_445 step %scan3A_446 iter_args(%scan3A_591 = %scan3A_442) -> (i32)  : i32 {
        %get3A = arith.index_cast %scan3A_590 : i32 to index
        %get3A_592 = arith.constant 0 : index
        %get3A_593 = tpu.vector_load %arg9[%get3A, %get3A_592] {strides = array<i32>} : memref<256x128xf32, #tpu.memory_space<vmem>>, vector<1x16xf32>,
        %get3A_594 = vector.shape_cast %get3A_593 : vector<1x16xf32> to vector<16xf32>
        %swap3A = arith.constant 0 : i32
        %swap3A_595 = arith.index_cast %swap3A : i32 to index
        %swap3A_596 = arith.index_cast %scan3A_590 : i32 to index
        %swap3A_597 = arith.constant 0 : index
        %swap3A_598 = tpu.vector_load %arg8[%swap3A_595, %swap3A_596, %swap3A_597] {strides = array<i32>} : memref<2x256x64xf32, #tpu.memory_space<vmem>>, vector<1x1x16xf32>,
        %swap3A_599 = vector.shape_cast %swap3A_598 : vector<1x1x16xf32> to vector<16xf32>
        %swap3A_600 = vector.shape_cast %get3A_594 : vector<16xf32> to vector<1x1x16xf32>
        tpu.vector_store %arg8[%swap3A_595, %swap3A_596, %swap3A_597], %swap3A_600 {add = true, strides = array<i32>} : memref<2x256x64xf32, #tpu.memory_space<vmem>>, vector<1x1x16xf32>,
        %get3A_601 = arith.index_cast %scan3A_590 : i32 to index
        %get3A_602 = arith.constant 16 : index
        %get3A_603 = tpu.vector_load %arg9[%get3A_601, %get3A_602] {strides = array<i32>} : memref<256x128xf32, #tpu.memory_space<vmem>>, vector<1x16xf32>,
        %get3A_604 = vector.shape_cast %get3A_603 : vector<1x16xf32> to vector<16xf32>
        %swap3A_605 = arith.constant 0 : i32
        %swap3A_606 = arith.index_cast %swap3A_605 : i32 to index
        %swap3A_607 = arith.index_cast %scan3A_590 : i32 to index
        %swap3A_608 = arith.constant 16 : index
        %swap3A_609 = tpu.vector_load %arg8[%swap3A_606, %swap3A_607, %swap3A_608] {strides = array<i32>} : memref<2x256x64xf32, #tpu.memory_space<vmem>>, vector<1x1x16xf32>,
        %swap3A_610 = vector.shape_cast %swap3A_609 : vector<1x1x16xf32> to vector<16xf32>
        %swap3A_611 = vector.shape_cast %get3A_604 : vector<16xf32> to vector<1x1x16xf32>
        tpu.vector_store %arg8[%swap3A_606, %swap3A_607, %swap3A_608], %swap3A_611 {add = true, strides = array<i32>} : memref<2x256x64xf32, #tpu.memory_space<vmem>>, vector<1x1x16xf32>,
        %get3A_612 = arith.index_cast %scan3A_590 : i32 to index
        %get3A_613 = arith.constant 32 : index
        %get3A_614 = tpu.vector_load %arg9[%get3A_612, %get3A_613] {strides = array<i32>} : memref<256x128xf32, #tpu.memory_space<vmem>>, vector<1x16xf32>,
        %get3A_615 = vector.shape_cast %get3A_614 : vector<1x16xf32> to vector<16xf32>
        %swap3A_616 = arith.constant 0 : i32
        %swap3A_617 = arith.index_cast %swap3A_616 : i32 to index
        %swap3A_618 = arith.index_cast %scan3A_590 : i32 to index
        %swap3A_619 = arith.constant 32 : index
        %swap3A_620 = tpu.vector_load %arg8[%swap3A_617, %swap3A_618, %swap3A_619] {strides = array<i32>} : memref<2x256x64xf32, #tpu.memory_space<vmem>>, vector<1x1x16xf32>,
        %swap3A_621 = vector.shape_cast %swap3A_620 : vector<1x1x16xf32> to vector<16xf32>
        %swap3A_622 = vector.shape_cast %get3A_615 : vector<16xf32> to vector<1x1x16xf32>
        tpu.vector_store %arg8[%swap3A_617, %swap3A_618, %swap3A_619], %swap3A_622 {add = true, strides = array<i32>} : memref<2x256x64xf32, #tpu.memory_space<vmem>>, vector<1x1x16xf32>,
        %get3A_623 = arith.index_cast %scan3A_590 : i32 to index
        %get3A_624 = arith.constant 48 : index
        %get3A_625 = tpu.vector_load %arg9[%get3A_623, %get3A_624] {strides = array<i32>} : memref<256x128xf32, #tpu.memory_space<vmem>>, vector<1x16xf32>,
        %get3A_626 = vector.shape_cast %get3A_625 : vector<1x16xf32> to vector<16xf32>
        %swap3A_627 = arith.constant 0 : i32
        %swap3A_628 = arith.index_cast %swap3A_627 : i32 to index
        %swap3A_629 = arith.index_cast %scan3A_590 : i32 to index
        %swap3A_630 = arith.constant 48 : index
        %swap3A_631 = tpu.vector_load %arg8[%swap3A_628, %swap3A_629, %swap3A_630] {strides = array<i32>} : memref<2x256x64xf32, #tpu.memory_space<vmem>>, vector<1x1x16xf32>,
        %swap3A_632 = vector.shape_cast %swap3A_631 : vector<1x1x16xf32> to vector<16xf32>
        %swap3A_633 = vector.shape_cast %get3A_626 : vector<16xf32> to vector<1x1x16xf32>
        tpu.vector_store %arg8[%swap3A_628, %swap3A_629, %swap3A_630], %swap3A_633 {add = true, strides = array<i32>} : memref<2x256x64xf32, #tpu.memory_space<vmem>>, vector<1x1x16xf32>,
        %scan3A_634 = arith.constant 0 : i32
        scf.yield %scan3A_634 : i32
      }
      %scan3A_448 = arith.constant 256 : i32
      %dma_start3A_449 = arith.constant 0 : i32
      %dma_start3A_450 = arith.constant 0 : i32
      %dma_start3A_451 = arith.constant 0 : i32
      %dma_start3A_452 = tpu.memref_slice %arg8[%dma_start3A_449, %dma_start3A_450, %dma_start3A_451] : memref<2x256x64xf32, #tpu.memory_space<vmem>> -> memref<1x256x64xf32, #tpu.memory_space<vmem>>
      %dma_start3A_453 = tpu.memref_squeeze %dma_start3A_452 : memref<1x256x64xf32, #tpu.memory_space<vmem>> -> memref<256x64xf32, #tpu.memory_space<vmem>>
      %dma_start3A_454 = arith.constant 0 : i32
      %dma_start3A_455 = tpu.memref_slice %arg5[%add3A_325, %dma_start3A_454] : memref<819200x64xf32, #tpu.memory_space<hbm>> -> memref<256x64xf32, #tpu.memory_space<hbm>>
      %dma_start3A_456 = arith.constant 0 : i32
      %dma_start3A_457 = tpu.memref_slice %arg5[%add3A_325, %dma_start3A_456] : memref<819200x64xf32, #tpu.memory_space<hbm>> -> memref<256x64xf32, #tpu.memory_space<hbm>>
      %dma_start3A_458 = arith.constant 0 : i32
      %dma_start3A_459 = arith.constant 0 : i32
      %dma_start3A_460 = tpu.memref_slice %arg8[%dma_start3A_449, %dma_start3A_458, %dma_start3A_459] : memref<2x256x64xf32, #tpu.memory_space<vmem>> -> memref<1x256x64xf32, #tpu.memory_space<vmem>>
      %dma_start3A_461 = tpu.memref_squeeze %dma_start3A_460 : memref<1x256x64xf32, #tpu.memory_space<vmem>> -> memref<256x64xf32, #tpu.memory_space<vmem>>
      tpu.enqueue_dma source(%dma_start3A_461 : memref<256x64xf32, #tpu.memory_space<vmem>>) target(%dma_start3A_457 : memref<256x64xf32, #tpu.memory_space<hbm>>) target_semaphore(%arg16 : memref<!tpu.dma_semaphore, #tpu.memory_space<semaphore_mem>>)
      %dma_wait3A_462 = arith.constant 1 : i32
      %dma_wait3A_463 = arith.constant 0 : i32
      %dma_wait3A_464 = tpu.memref_slice %arg6[%dma_wait3A_462, %dma_wait3A_463] : memref<2x256xf32, #tpu.memory_space<vmem>> -> memref<1x256xf32, #tpu.memory_space<vmem>>
      %dma_wait3A_465 = tpu.memref_squeeze %dma_wait3A_464 : memref<1x256xf32, #tpu.memory_space<vmem>> -> memref<256xf32, #tpu.memory_space<vmem>>
      %dma_wait3A_466 = tpu.memref_slice %arg3[%add3A_327] : memref<819200xf32, #tpu.memory_space<hbm>> -> memref<256xf32, #tpu.memory_space<hbm>>
      %dma_wait3A_467 = arith.constant 0 : i32
      %dma_wait3A_468 = tpu.memref_slice %arg6[%dma_wait3A_462, %dma_wait3A_467] : memref<2x256xf32, #tpu.memory_space<vmem>> -> memref<1x256xf32, #tpu.memory_space<vmem>>
      %dma_wait3A_469 = tpu.memref_squeeze %dma_wait3A_468 : memref<1x256xf32, #tpu.memory_space<vmem>> -> memref<256xf32, #tpu.memory_space<vmem>>
      %dma_wait3A_470 = tpu.memref_slice %arg3[%add3A_327] : memref<819200xf32, #tpu.memory_space<hbm>> -> memref<256xf32, #tpu.memory_space<hbm>>
      tpu.wait_dma2 semaphore(%arg11 : memref<!tpu.dma_semaphore, #tpu.memory_space<semaphore_mem>>) src(%dma_wait3A_470 : memref<256xf32, #tpu.memory_space<hbm>>) dst(%dma_wait3A_469 : memref<256xf32, #tpu.memory_space<vmem>>)
      %scan3A_471 = arith.constant 0 : i32
      %scan3A_472 = arith.constant 0 : i32
      %scan3A_473 = arith.constant 16 : i32
      %scan3A_474 = arith.addi %scan3A_472, %scan3A_473 : i32
      %scan3A_475 = arith.constant 1 : i32
      %scan3A_476 = scf.for %scan3A_590 = %scan3A_472 to %scan3A_474 step %scan3A_475 iter_args(%scan3A_591 = %scan3A_471) -> (i32)  : i32 {
        %mul3A_592 = arith.constant 16 : i32
        %mul3A_593 = arith.muli %scan3A_590, %mul3A_592 : i32
        %get3A = arith.constant 1 : i32
        %get3A_594 = arith.index_cast %get3A : i32 to index
        %get3A_595 = arith.index_cast %mul3A_593 : i32 to index
        %get3A_596 = tpu.vector_load %arg6[%get3A_594, %get3A_595] {strides = array<i32>} : memref<2x256xf32, #tpu.memory_space<vmem>>, vector<1x16xf32>,
        %get3A_597 = vector.shape_cast %get3A_596 : vector<1x16xf32> to vector<16xf32>
        %mul3A_598 = arith.constant 5.000000e+03 : f32
        %mul3A_599 = vector.broadcast %mul3A_598 : f32 to vector<16xf32>
        %mul3A_600 = arith.mulf %get3A_597, %mul3A_599 : vector<16xf32>
        %convert_element_type3A = arith.fptosi %mul3A_600 : vector<16xf32> to vector<16xi32>
        %jit3A = arith.constant 8 : i32
        %div3A = arith.divsi %scan3A_590, %jit3A : i32
        %sign3A = arith.constant 0 : i32
        %sign3A_601 = arith.cmpi sgt, %scan3A_590, %sign3A : i32
        %sign3A_602 = arith.extui %sign3A_601 : i1 to i32
        %sign3A_603 = arith.constant 0 : i32
        %sign3A_604 = arith.cmpi slt, %scan3A_590, %sign3A_603 : i32
        %sign3A_605 = arith.extui %sign3A_604 : i1 to i32
        %sign3A_606 = arith.subi %sign3A_602, %sign3A_605 : i32
        %sign3A_607 = arith.constant 0 : i32
        %sign3A_608 = arith.cmpi sgt, %jit3A, %sign3A_607 : i32
        %sign3A_609 = arith.extui %sign3A_608 : i1 to i32
        %sign3A_610 = arith.constant 0 : i32
        %sign3A_611 = arith.cmpi slt, %jit3A, %sign3A_610 : i32
        %sign3A_612 = arith.extui %sign3A_611 : i1 to i32
        %sign3A_613 = arith.subi %sign3A_609, %sign3A_612 : i32
        %ne3A = arith.cmpi ne, %sign3A_606, %sign3A_613 : i32
        %rem3A = arith.remsi %scan3A_590, %jit3A : i32
        %ne3A_614 = arith.constant 0 : i32
        %ne3A_615 = arith.cmpi ne, %rem3A, %ne3A_614 : i32
        %and3A = arith.andi %ne3A, %ne3A_615 : i1
        %sub3A_616 = arith.constant 1 : i32
        %sub3A_617 = arith.subi %div3A, %sub3A_616 : i32
        %select_n3A = arith.select %and3A, %sub3A_617, %div3A : i32
        %jit3A_618 = arith.constant 8 : i32
        %eq3A = arith.constant 0 : i32
        %eq3A_619 = arith.cmpi eq, %jit3A_618, %eq3A : i32
        %jit3A_620 = arith.constant 1 : i32
        %select_n3A_621 = arith.select %eq3A_619, %jit3A_620, %jit3A_618 : i32
        %rem3A_622 = arith.remsi %scan3A_590, %select_n3A_621 : i32
        %ne3A_623 = arith.constant 0 : i32
        %ne3A_624 = arith.cmpi ne, %rem3A_622, %ne3A_623 : i32
        %lt3A = arith.constant 0 : i32
        %lt3A_625 = arith.cmpi slt, %rem3A_622, %lt3A : i32
        %lt3A_626 = arith.constant 0 : i32
        %lt3A_627 = arith.cmpi slt, %select_n3A_621, %lt3A_626 : i32
        %ne3A_628 = arith.xori %lt3A_625, %lt3A_627 : i1
        %and3A_629 = arith.andi %ne3A_628, %ne3A_624 : i1
        %add3A_630 = arith.addi %rem3A_622, %select_n3A_621 : i32
        %select_n3A_631 = arith.select %and3A_629, %add3A_630, %rem3A_622 : i32
        %mul3A_632 = arith.constant 16 : i32
        %mul3A_633 = arith.muli %select_n3A_631, %mul3A_632 : i32
        %swap3A = arith.constant 1 : i32
        %swap3A_634 = arith.index_cast %swap3A : i32 to index
        %swap3A_635 = arith.index_cast %select_n3A : i32 to index
        %swap3A_636 = arith.index_cast %mul3A_633 : i32 to index
        %swap3A_637 = tpu.vector_load %arg7[%swap3A_634, %swap3A_635, %swap3A_636] {strides = array<i32>} : memref<2x2x128xi32, #tpu.memory_space<vmem>>, vector<1x1x16xi32>,
        %swap3A_638 = vector.shape_cast %swap3A_637 : vector<1x1x16xi32> to vector<16xi32>
        %swap3A_639 = vector.shape_cast %convert_element_type3A : vector<16xi32> to vector<1x1x16xi32>
        tpu.vector_store %arg7[%swap3A_634, %swap3A_635, %swap3A_636], %swap3A_639 {strides = array<i32>} : memref<2x2x128xi32, #tpu.memory_space<vmem>>, vector<1x1x16xi32>,
        %scan3A_640 = arith.constant 0 : i32
        scf.yield %scan3A_640 : i32
      }
      %scan3A_477 = arith.constant 16 : i32
      %dma_start3A_478 = arith.constant 1 : i32
      %dma_start3A_479 = arith.constant 0 : i32
      %dma_start3A_480 = arith.constant 0 : i32
      %dma_start3A_481 = arith.constant 0 : i32
      %dma_start3A_482 = tpu.memref_slice %arg9[%dma_start3A_480, %dma_start3A_481] : memref<256x128xf32, #tpu.memory_space<vmem>> -> memref<128x128xf32, #tpu.memory_space<vmem>>
      %dma_start3A_483 = arith.constant 0 : i32
      %dma_start3A_484 = tpu.memref_slice %arg7[%dma_start3A_478, %dma_start3A_479, %dma_start3A_483] : memref<2x2x128xi32, #tpu.memory_space<vmem>> -> memref<1x1x128xi32, #tpu.memory_space<vmem>>
      %dma_start3A_485 = tpu.memref_squeeze %dma_start3A_484 : memref<1x1x128xi32, #tpu.memory_space<vmem>> -> memref<128xi32, #tpu.memory_space<vmem>>
      %dma_start3A_486 = arith.constant 0 : i32
      %dma_start3A_487 = arith.constant 0 : i32
      %dma_start3A_488 = tpu.memref_slice %arg4[%dma_start3A_486, %dma_start3A_487] : memref<5000x128xf32, #tpu.memory_space<hbm>> -> memref<5000x128xf32, #tpu.memory_space<hbm>>
      tpu.enqueue_indirect_dma source(%dma_start3A_488 : memref<5000x128xf32, #tpu.memory_space<hbm>>) target(%dma_start3A_482 : memref<128x128xf32, #tpu.memory_space<vmem>>) offsets(%dma_start3A_485 : memref<128xi32, #tpu.memory_space<vmem>>) semaphore(%arg15 : memref<!tpu.dma_semaphore, #tpu.memory_space<semaphore_mem>>)
      %dma_start3A_489 = arith.constant 1 : i32
      %dma_start3A_490 = arith.constant 1 : i32
      %dma_start3A_491 = arith.constant 128 : i32
      %dma_start3A_492 = arith.constant 0 : i32
      %dma_start3A_493 = tpu.memref_slice %arg9[%dma_start3A_491, %dma_start3A_492] : memref<256x128xf32, #tpu.memory_space<vmem>> -> memref<128x128xf32, #tpu.memory_space<vmem>>
      %dma_start3A_494 = arith.constant 0 : i32
      %dma_start3A_495 = tpu.memref_slice %arg7[%dma_start3A_489, %dma_start3A_490, %dma_start3A_494] : memref<2x2x128xi32, #tpu.memory_space<vmem>> -> memref<1x1x128xi32, #tpu.memory_space<vmem>>
      %dma_start3A_496 = tpu.memref_squeeze %dma_start3A_495 : memref<1x1x128xi32, #tpu.memory_space<vmem>> -> memref<128xi32, #tpu.memory_space<vmem>>
      %dma_start3A_497 = arith.constant 0 : i32
      %dma_start3A_498 = arith.constant 0 : i32
      %dma_start3A_499 = tpu.memref_slice %arg4[%dma_start3A_497, %dma_start3A_498] : memref<5000x128xf32, #tpu.memory_space<hbm>> -> memref<5000x128xf32, #tpu.memory_space<hbm>>
      tpu.enqueue_indirect_dma source(%dma_start3A_499 : memref<5000x128xf32, #tpu.memory_space<hbm>>) target(%dma_start3A_493 : memref<128x128xf32, #tpu.memory_space<vmem>>) offsets(%dma_start3A_496 : memref<128xi32, #tpu.memory_space<vmem>>) semaphore(%arg15 : memref<!tpu.dma_semaphore, #tpu.memory_space<semaphore_mem>>)
      %dma_wait3A_500 = arith.constant 0 : i32
      %dma_wait3A_501 = arith.constant 0 : i32
      %dma_wait3A_502 = arith.constant 0 : i32
      %dma_wait3A_503 = tpu.memref_slice %arg8[%dma_wait3A_500, %dma_wait3A_501, %dma_wait3A_502] : memref<2x256x64xf32, #tpu.memory_space<vmem>> -> memref<1x256x64xf32, #tpu.memory_space<vmem>>
      %dma_wait3A_504 = tpu.memref_squeeze %dma_wait3A_503 : memref<1x256x64xf32, #tpu.memory_space<vmem>> -> memref<256x64xf32, #tpu.memory_space<vmem>>
      %dma_wait3A_505 = arith.constant 0 : i32
      %dma_wait3A_506 = tpu.memref_slice %arg5[%add3A_325, %dma_wait3A_505] : memref<819200x64xf32, #tpu.memory_space<hbm>> -> memref<256x64xf32, #tpu.memory_space<hbm>>
      %dma_wait3A_507 = arith.constant 0 : i32
      %dma_wait3A_508 = tpu.memref_slice %arg5[%add3A_325, %dma_wait3A_507] : memref<819200x64xf32, #tpu.memory_space<hbm>> -> memref<256x64xf32, #tpu.memory_space<hbm>>
      %dma_wait3A_509 = arith.constant 0 : i32
      %dma_wait3A_510 = arith.constant 0 : i32
      %dma_wait3A_511 = tpu.memref_slice %arg8[%dma_wait3A_500, %dma_wait3A_509, %dma_wait3A_510] : memref<2x256x64xf32, #tpu.memory_space<vmem>> -> memref<1x256x64xf32, #tpu.memory_space<vmem>>
      %dma_wait3A_512 = tpu.memref_squeeze %dma_wait3A_511 : memref<1x256x64xf32, #tpu.memory_space<vmem>> -> memref<256x64xf32, #tpu.memory_space<vmem>>
      tpu.wait_dma2 semaphore(%arg16 : memref<!tpu.dma_semaphore, #tpu.memory_space<semaphore_mem>>) src(%dma_wait3A_512 : memref<256x64xf32, #tpu.memory_space<vmem>>) dst(%dma_wait3A_508 : memref<256x64xf32, #tpu.memory_space<hbm>>)
      %dma_start3A_513 = arith.constant 0 : i32
      %dma_start3A_514 = arith.constant 0 : i32
      %dma_start3A_515 = tpu.memref_slice %arg6[%dma_start3A_513, %dma_start3A_514] : memref<2x256xf32, #tpu.memory_space<vmem>> -> memref<1x256xf32, #tpu.memory_space<vmem>>
      %dma_start3A_516 = tpu.memref_squeeze %dma_start3A_515 : memref<1x256xf32, #tpu.memory_space<vmem>> -> memref<256xf32, #tpu.memory_space<vmem>>
      %dma_start3A_517 = tpu.memref_slice %arg3[%min3A_331] : memref<819200xf32, #tpu.memory_space<hbm>> -> memref<256xf32, #tpu.memory_space<hbm>>
      %dma_start3A_518 = arith.constant 0 : i32
      %dma_start3A_519 = tpu.memref_slice %arg6[%dma_start3A_513, %dma_start3A_518] : memref<2x256xf32, #tpu.memory_space<vmem>> -> memref<1x256xf32, #tpu.memory_space<vmem>>
      %dma_start3A_520 = tpu.memref_squeeze %dma_start3A_519 : memref<1x256xf32, #tpu.memory_space<vmem>> -> memref<256xf32, #tpu.memory_space<vmem>>
      %dma_start3A_521 = tpu.memref_slice %arg3[%min3A_331] : memref<819200xf32, #tpu.memory_space<hbm>> -> memref<256xf32, #tpu.memory_space<hbm>>
      tpu.enqueue_dma source(%dma_start3A_521 : memref<256xf32, #tpu.memory_space<hbm>>) target(%dma_start3A_520 : memref<256xf32, #tpu.memory_space<vmem>>) target_semaphore(%arg10 : memref<!tpu.dma_semaphore, #tpu.memory_space<semaphore_mem>>)
      %dma_start3A_522 = arith.constant 0 : i32
      %dma_start3A_523 = arith.constant 0 : i32
      %dma_start3A_524 = arith.constant 0 : i32
      %dma_start3A_525 = tpu.memref_slice %arg8[%dma_start3A_522, %dma_start3A_523, %dma_start3A_524] : memref<2x256x64xf32, #tpu.memory_space<vmem>> -> memref<1x256x64xf32, #tpu.memory_space<vmem>>
      %dma_start3A_526 = tpu.memref_squeeze %dma_start3A_525 : memref<1x256x64xf32, #tpu.memory_space<vmem>> -> memref<256x64xf32, #tpu.memory_space<vmem>>
      %dma_start3A_527 = arith.constant 0 : i32
      %dma_start3A_528 = tpu.memref_slice %arg2[%min3A_331, %dma_start3A_527] : memref<819200x64xf32, #tpu.memory_space<hbm>> -> memref<256x64xf32, #tpu.memory_space<hbm>>
      %dma_start3A_529 = arith.constant 0 : i32
      %dma_start3A_530 = arith.constant 0 : i32
      %dma_start3A_531 = tpu.memref_slice %arg8[%dma_start3A_522, %dma_start3A_529, %dma_start3A_530] : memref<2x256x64xf32, #tpu.memory_space<vmem>> -> memref<1x256x64xf32, #tpu.memory_space<vmem>>
      %dma_start3A_532 = tpu.memref_squeeze %dma_start3A_531 : memref<1x256x64xf32, #tpu.memory_space<vmem>> -> memref<256x64xf32, #tpu.memory_space<vmem>>
      %dma_start3A_533 = arith.constant 0 : i32
      %dma_start3A_534 = tpu.memref_slice %arg2[%min3A_331, %dma_start3A_533] : memref<819200x64xf32, #tpu.memory_space<hbm>> -> memref<256x64xf32, #tpu.memory_space<hbm>>
      tpu.enqueue_dma source(%dma_start3A_534 : memref<256x64xf32, #tpu.memory_space<hbm>>) target(%dma_start3A_532 : memref<256x64xf32, #tpu.memory_space<vmem>>) target_semaphore(%arg12 : memref<!tpu.dma_semaphore, #tpu.memory_space<semaphore_mem>>)
      %dma_wait3A_535 = arith.constant 1 : i32
      %dma_wait3A_536 = arith.constant 0 : i32
      %dma_wait3A_537 = arith.constant 0 : i32
      %dma_wait3A_538 = tpu.memref_slice %arg8[%dma_wait3A_535, %dma_wait3A_536, %dma_wait3A_537] : memref<2x256x64xf32, #tpu.memory_space<vmem>> -> memref<1x256x64xf32, #tpu.memory_space<vmem>>
      %dma_wait3A_539 = tpu.memref_squeeze %dma_wait3A_538 : memref<1x256x64xf32, #tpu.memory_space<vmem>> -> memref<256x64xf32, #tpu.memory_space<vmem>>
      %dma_wait3A_540 = arith.constant 0 : i32
      %dma_wait3A_541 = tpu.memref_slice %arg2[%add3A_327, %dma_wait3A_540] : memref<819200x64xf32, #tpu.memory_space<hbm>> -> memref<256x64xf32, #tpu.memory_space<hbm>>
      %dma_wait3A_542 = arith.constant 0 : i32
      %dma_wait3A_543 = arith.constant 0 : i32
      %dma_wait3A_544 = tpu.memref_slice %arg8[%dma_wait3A_535, %dma_wait3A_542, %dma_wait3A_543] : memref<2x256x64xf32, #tpu.memory_space<vmem>> -> memref<1x256x64xf32, #tpu.memory_space<vmem>>
      %dma_wait3A_545 = tpu.memref_squeeze %dma_wait3A_544 : memref<1x256x64xf32, #tpu.memory_space<vmem>> -> memref<256x64xf32, #tpu.memory_space<vmem>>
      %dma_wait3A_546 = arith.constant 0 : i32
      %dma_wait3A_547 = tpu.memref_slice %arg2[%add3A_327, %dma_wait3A_546] : memref<819200x64xf32, #tpu.memory_space<hbm>> -> memref<256x64xf32, #tpu.memory_space<hbm>>
      tpu.wait_dma2 semaphore(%arg13 : memref<!tpu.dma_semaphore, #tpu.memory_space<semaphore_mem>>) src(%dma_wait3A_547 : memref<256x64xf32, #tpu.memory_space<hbm>>) dst(%dma_wait3A_545 : memref<256x64xf32, #tpu.memory_space<vmem>>)
      %dma_wait3A_548 = arith.constant 1 : i32
      %dma_wait3A_549 = arith.constant 0 : i32
      %dma_wait3A_550 = arith.constant 0 : i32
      %dma_wait3A_551 = arith.constant 0 : i32
      %dma_wait3A_552 = tpu.memref_slice %arg9[%dma_wait3A_550, %dma_wait3A_551] : memref<256x128xf32, #tpu.memory_space<vmem>> -> memref<128x128xf32, #tpu.memory_space<vmem>>
      %dma_wait3A_553 = arith.constant 0 : i32
      %dma_wait3A_554 = tpu.memref_slice %arg7[%dma_wait3A_548, %dma_wait3A_549, %dma_wait3A_553] : memref<2x2x128xi32, #tpu.memory_space<vmem>> -> memref<1x1x128xi32, #tpu.memory_space<vmem>>
      %dma_wait3A_555 = tpu.memref_squeeze %dma_wait3A_554 : memref<1x1x128xi32, #tpu.memory_space<vmem>> -> memref<128xi32, #tpu.memory_space<vmem>>
      %dma_wait3A_556 = arith.constant 0 : i32
      %dma_wait3A_557 = arith.constant 0 : i32
      %dma_wait3A_558 = tpu.memref_slice %arg4[%dma_wait3A_556, %dma_wait3A_557] : memref<5000x128xf32, #tpu.memory_space<hbm>> -> memref<5000x128xf32, #tpu.memory_space<hbm>>
      tpu.wait_indirect_dma semaphore(%arg15 : memref<!tpu.dma_semaphore, #tpu.memory_space<semaphore_mem>>) src(%dma_wait3A_558 : memref<5000x128xf32, #tpu.memory_space<hbm>>) dst(%dma_wait3A_552 : memref<128x128xf32, #tpu.memory_space<vmem>>)
      %dma_wait3A_559 = arith.constant 1 : i32
      %dma_wait3A_560 = arith.constant 1 : i32
      %dma_wait3A_561 = arith.constant 128 : i32
      %dma_wait3A_562 = arith.constant 0 : i32
      %dma_wait3A_563 = tpu.memref_slice %arg9[%dma_wait3A_561, %dma_wait3A_562] : memref<256x128xf32, #tpu.memory_space<vmem>> -> memref<128x128xf32, #tpu.memory_space<vmem>>
      %dma_wait3A_564 = arith.constant 0 : i32
      %dma_wait3A_565 = tpu.memref_slice %arg7[%dma_wait3A_559, %dma_wait3A_560, %dma_wait3A_564] : memref<2x2x128xi32, #tpu.memory_space<vmem>> -> memref<1x1x128xi32, #tpu.memory_space<vmem>>
      %dma_wait3A_566 = tpu.memref_squeeze %dma_wait3A_565 : memref<1x1x128xi32, #tpu.memory_space<vmem>> -> memref<128xi32, #tpu.memory_space<vmem>>
      %dma_wait3A_567 = arith.constant 0 : i32
      %dma_wait3A_568 = arith.constant 0 : i32
      %dma_wait3A_569 = tpu.memref_slice %arg4[%dma_wait3A_567, %dma_wait3A_568] : memref<5000x128xf32, #tpu.memory_space<hbm>> -> memref<5000x128xf32, #tpu.memory_space<hbm>>
      tpu.wait_indirect_dma semaphore(%arg15 : memref<!tpu.dma_semaphore, #tpu.memory_space<semaphore_mem>>) src(%dma_wait3A_569 : memref<5000x128xf32, #tpu.memory_space<hbm>>) dst(%dma_wait3A_563 : memref<128x128xf32, #tpu.memory_space<vmem>>)
      %scan3A_570 = arith.constant 0 : i32
      %scan3A_571 = arith.constant 0 : i32
      %scan3A_572 = arith.constant 256 : i32
      %scan3A_573 = arith.addi %scan3A_571, %scan3A_572 : i32
      %scan3A_574 = arith.constant 1 : i32
      %scan3A_575 = scf.for %scan3A_590 = %scan3A_571 to %scan3A_573 step %scan3A_574 iter_args(%scan3A_591 = %scan3A_570) -> (i32)  : i32 {
        %get3A = arith.index_cast %scan3A_590 : i32 to index
        %get3A_592 = arith.constant 0 : index
        %get3A_593 = tpu.vector_load %arg9[%get3A, %get3A_592] {strides = array<i32>} : memref<256x128xf32, #tpu.memory_space<vmem>>, vector<1x16xf32>,
        %get3A_594 = vector.shape_cast %get3A_593 : vector<1x16xf32> to vector<16xf32>
        %swap3A = arith.constant 1 : i32
        %swap3A_595 = arith.index_cast %swap3A : i32 to index
        %swap3A_596 = arith.index_cast %scan3A_590 : i32 to index
        %swap3A_597 = arith.constant 0 : index
        %swap3A_598 = tpu.vector_load %arg8[%swap3A_595, %swap3A_596, %swap3A_597] {strides = array<i32>} : memref<2x256x64xf32, #tpu.memory_space<vmem>>, vector<1x1x16xf32>,
        %swap3A_599 = vector.shape_cast %swap3A_598 : vector<1x1x16xf32> to vector<16xf32>
        %swap3A_600 = vector.shape_cast %get3A_594 : vector<16xf32> to vector<1x1x16xf32>
        tpu.vector_store %arg8[%swap3A_595, %swap3A_596, %swap3A_597], %swap3A_600 {add = true, strides = array<i32>} : memref<2x256x64xf32, #tpu.memory_space<vmem>>, vector<1x1x16xf32>,
        %get3A_601 = arith.index_cast %scan3A_590 : i32 to index
        %get3A_602 = arith.constant 16 : index
        %get3A_603 = tpu.vector_load %arg9[%get3A_601, %get3A_602] {strides = array<i32>} : memref<256x128xf32, #tpu.memory_space<vmem>>, vector<1x16xf32>,
        %get3A_604 = vector.shape_cast %get3A_603 : vector<1x16xf32> to vector<16xf32>
        %swap3A_605 = arith.constant 1 : i32
        %swap3A_606 = arith.index_cast %swap3A_605 : i32 to index
        %swap3A_607 = arith.index_cast %scan3A_590 : i32 to index
        %swap3A_608 = arith.constant 16 : index
        %swap3A_609 = tpu.vector_load %arg8[%swap3A_606, %swap3A_607, %swap3A_608] {strides = array<i32>} : memref<2x256x64xf32, #tpu.memory_space<vmem>>, vector<1x1x16xf32>,
        %swap3A_610 = vector.shape_cast %swap3A_609 : vector<1x1x16xf32> to vector<16xf32>
        %swap3A_611 = vector.shape_cast %get3A_604 : vector<16xf32> to vector<1x1x16xf32>
        tpu.vector_store %arg8[%swap3A_606, %swap3A_607, %swap3A_608], %swap3A_611 {add = true, strides = array<i32>} : memref<2x256x64xf32, #tpu.memory_space<vmem>>, vector<1x1x16xf32>,
        %get3A_612 = arith.index_cast %scan3A_590 : i32 to index
        %get3A_613 = arith.constant 32 : index
        %get3A_614 = tpu.vector_load %arg9[%get3A_612, %get3A_613] {strides = array<i32>} : memref<256x128xf32, #tpu.memory_space<vmem>>, vector<1x16xf32>,
        %get3A_615 = vector.shape_cast %get3A_614 : vector<1x16xf32> to vector<16xf32>
        %swap3A_616 = arith.constant 1 : i32
        %swap3A_617 = arith.index_cast %swap3A_616 : i32 to index
        %swap3A_618 = arith.index_cast %scan3A_590 : i32 to index
        %swap3A_619 = arith.constant 32 : index
        %swap3A_620 = tpu.vector_load %arg8[%swap3A_617, %swap3A_618, %swap3A_619] {strides = array<i32>} : memref<2x256x64xf32, #tpu.memory_space<vmem>>, vector<1x1x16xf32>,
        %swap3A_621 = vector.shape_cast %swap3A_620 : vector<1x1x16xf32> to vector<16xf32>
        %swap3A_622 = vector.shape_cast %get3A_615 : vector<16xf32> to vector<1x1x16xf32>
        tpu.vector_store %arg8[%swap3A_617, %swap3A_618, %swap3A_619], %swap3A_622 {add = true, strides = array<i32>} : memref<2x256x64xf32, #tpu.memory_space<vmem>>, vector<1x1x16xf32>,
        %get3A_623 = arith.index_cast %scan3A_590 : i32 to index
        %get3A_624 = arith.constant 48 : index
        %get3A_625 = tpu.vector_load %arg9[%get3A_623, %get3A_624] {strides = array<i32>} : memref<256x128xf32, #tpu.memory_space<vmem>>, vector<1x16xf32>,
        %get3A_626 = vector.shape_cast %get3A_625 : vector<1x16xf32> to vector<16xf32>
        %swap3A_627 = arith.constant 1 : i32
        %swap3A_628 = arith.index_cast %swap3A_627 : i32 to index
        %swap3A_629 = arith.index_cast %scan3A_590 : i32 to index
        %swap3A_630 = arith.constant 48 : index
        %swap3A_631 = tpu.vector_load %arg8[%swap3A_628, %swap3A_629, %swap3A_630] {strides = array<i32>} : memref<2x256x64xf32, #tpu.memory_space<vmem>>, vector<1x1x16xf32>,
        %swap3A_632 = vector.shape_cast %swap3A_631 : vector<1x1x16xf32> to vector<16xf32>
        %swap3A_633 = vector.shape_cast %get3A_626 : vector<16xf32> to vector<1x1x16xf32>
        tpu.vector_store %arg8[%swap3A_628, %swap3A_629, %swap3A_630], %swap3A_633 {add = true, strides = array<i32>} : memref<2x256x64xf32, #tpu.memory_space<vmem>>, vector<1x1x16xf32>,
        %scan3A_634 = arith.constant 0 : i32
        scf.yield %scan3A_634 : i32
      }
      %scan3A_576 = arith.constant 256 : i32
      %dma_start3A_577 = arith.constant 1 : i32
      %dma_start3A_578 = arith.constant 0 : i32
      %dma_start3A_579 = arith.constant 0 : i32
      %dma_start3A_580 = tpu.memref_slice %arg8[%dma_start3A_577, %dma_start3A_578, %dma_start3A_579] : memref<2x256x64xf32, #tpu.memory_space<vmem>> -> memref<1x256x64xf32, #tpu.memory_space<vmem>>
      %dma_start3A_581 = tpu.memref_squeeze %dma_start3A_580 : memref<1x256x64xf32, #tpu.memory_space<vmem>> -> memref<256x64xf32, #tpu.memory_space<vmem>>
      %dma_start3A_582 = arith.constant 0 : i32
      %dma_start3A_583 = tpu.memref_slice %arg5[%add3A_327, %dma_start3A_582] : memref<819200x64xf32, #tpu.memory_space<hbm>> -> memref<256x64xf32, #tpu.memory_space<hbm>>
      %dma_start3A_584 = arith.constant 0 : i32
      %dma_start3A_585 = tpu.memref_slice %arg5[%add3A_327, %dma_start3A_584] : memref<819200x64xf32, #tpu.memory_space<hbm>> -> memref<256x64xf32, #tpu.memory_space<hbm>>
      %dma_start3A_586 = arith.constant 0 : i32
      %dma_start3A_587 = arith.constant 0 : i32
      %dma_start3A_588 = tpu.memref_slice %arg8[%dma_start3A_577, %dma_start3A_586, %dma_start3A_587] : memref<2x256x64xf32, #tpu.memory_space<vmem>> -> memref<1x256x64xf32, #tpu.memory_space<vmem>>
      %dma_start3A_589 = tpu.memref_squeeze %dma_start3A_588 : memref<1x256x64xf32, #tpu.memory_space<vmem>> -> memref<256x64xf32, #tpu.memory_space<vmem>>
      tpu.enqueue_dma source(%dma_start3A_589 : memref<256x64xf32, #tpu.memory_space<vmem>>) target(%dma_start3A_585 : memref<256x64xf32, #tpu.memory_space<hbm>>) target_semaphore(%arg17 : memref<!tpu.dma_semaphore, #tpu.memory_space<semaphore_mem>>)
    }
    %scan3A_277 = arith.constant 49 : i32
    %add3A_278 = arith.constant 25600 : i32
    %add3A_279 = arith.addi %mul3A_2, %add3A_278 : i32
    %sub3A = arith.constant 256 : i32
    %sub3A_280 = arith.subi %add3A_279, %sub3A : i32
    %dma_wait3A_281 = arith.constant 1 : i32
    %dma_wait3A_282 = arith.constant 0 : i32
    %dma_wait3A_283 = arith.constant 0 : i32
    %dma_wait3A_284 = tpu.memref_slice %arg8[%dma_wait3A_281, %dma_wait3A_282, %dma_wait3A_283] : memref<2x256x64xf32, #tpu.memory_space<vmem>> -> memref<1x256x64xf32, #tpu.memory_space<vmem>>
    %dma_wait3A_285 = tpu.memref_squeeze %dma_wait3A_284 : memref<1x256x64xf32, #tpu.memory_space<vmem>> -> memref<256x64xf32, #tpu.memory_space<vmem>>
    %dma_wait3A_286 = arith.constant 0 : i32
    %dma_wait3A_287 = tpu.memref_slice %arg5[%sub3A_280, %dma_wait3A_286] : memref<819200x64xf32, #tpu.memory_space<hbm>> -> memref<256x64xf32, #tpu.memory_space<hbm>>
    %dma_wait3A_288 = arith.constant 0 : i32
    %dma_wait3A_289 = tpu.memref_slice %arg5[%sub3A_280, %dma_wait3A_288] : memref<819200x64xf32, #tpu.memory_space<hbm>> -> memref<256x64xf32, #tpu.memory_space<hbm>>
    %dma_wait3A_290 = arith.constant 0 : i32
    %dma_wait3A_291 = arith.constant 0 : i32
    %dma_wait3A_292 = tpu.memref_slice %arg8[%dma_wait3A_281, %dma_wait3A_290, %dma_wait3A_291] : memref<2x256x64xf32, #tpu.memory_space<vmem>> -> memref<1x256x64xf32, #tpu.memory_space<vmem>>
    %dma_wait3A_293 = tpu.memref_squeeze %dma_wait3A_292 : memref<1x256x64xf32, #tpu.memory_space<vmem>> -> memref<256x64xf32, #tpu.memory_space<vmem>>
    tpu.wait_dma2 semaphore(%arg17 : memref<!tpu.dma_semaphore, #tpu.memory_space<semaphore_mem>>) src(%dma_wait3A_293 : memref<256x64xf32, #tpu.memory_space<vmem>>) dst(%dma_wait3A_289 : memref<256x64xf32, #tpu.memory_space<hbm>>)
    %dma_wait3A_294 = arith.constant 0 : i32
    %dma_wait3A_295 = arith.constant 0 : i32
    %dma_wait3A_296 = tpu.memref_slice %arg6[%dma_wait3A_294, %dma_wait3A_295] : memref<2x256xf32, #tpu.memory_space<vmem>> -> memref<1x256xf32, #tpu.memory_space<vmem>>
    %dma_wait3A_297 = tpu.memref_squeeze %dma_wait3A_296 : memref<1x256xf32, #tpu.memory_space<vmem>> -> memref<256xf32, #tpu.memory_space<vmem>>
    %dma_wait3A_298 = arith.constant 818944 : i32
    %dma_wait3A_299 = tpu.memref_slice %arg3[%dma_wait3A_298] : memref<819200xf32, #tpu.memory_space<hbm>> -> memref<256xf32, #tpu.memory_space<hbm>>
    %dma_wait3A_300 = arith.constant 0 : i32
    %dma_wait3A_301 = tpu.memref_slice %arg6[%dma_wait3A_294, %dma_wait3A_300] : memref<2x256xf32, #tpu.memory_space<vmem>> -> memref<1x256xf32, #tpu.memory_space<vmem>>
    %dma_wait3A_302 = tpu.memref_squeeze %dma_wait3A_301 : memref<1x256xf32, #tpu.memory_space<vmem>> -> memref<256xf32, #tpu.memory_space<vmem>>
    %dma_wait3A_303 = arith.constant 818944 : i32
    %dma_wait3A_304 = tpu.memref_slice %arg3[%dma_wait3A_303] : memref<819200xf32, #tpu.memory_space<hbm>> -> memref<256xf32, #tpu.memory_space<hbm>>
    tpu.wait_dma2 semaphore(%arg10 : memref<!tpu.dma_semaphore, #tpu.memory_space<semaphore_mem>>) src(%dma_wait3A_304 : memref<256xf32, #tpu.memory_space<hbm>>) dst(%dma_wait3A_302 : memref<256xf32, #tpu.memory_space<vmem>>)
    %dma_wait3A_305 = arith.constant 0 : i32
    %dma_wait3A_306 = arith.constant 0 : i32
    %dma_wait3A_307 = arith.constant 0 : i32
    %dma_wait3A_308 = tpu.memref_slice %arg8[%dma_wait3A_305, %dma_wait3A_306, %dma_wait3A_307] : memref<2x256x64xf32, #tpu.memory_space<vmem>> -> memref<1x256x64xf32, #tpu.memory_space<vmem>>
    %dma_wait3A_309 = tpu.memref_squeeze %dma_wait3A_308 : memref<1x256x64xf32, #tpu.memory_space<vmem>> -> memref<256x64xf32, #tpu.memory_space<vmem>>
    %dma_wait3A_310 = arith.constant 818944 : i32
    %dma_wait3A_311 = arith.constant 0 : i32
    %dma_wait3A_312 = tpu.memref_slice %arg2[%dma_wait3A_310, %dma_wait3A_311] : memref<819200x64xf32, #tpu.memory_space<hbm>> -> memref<256x64xf32, #tpu.memory_space<hbm>>
    %dma_wait3A_313 = arith.constant 0 : i32
    %dma_wait3A_314 = arith.constant 0 : i32
    %dma_wait3A_315 = tpu.memref_slice %arg8[%dma_wait3A_305, %dma_wait3A_313, %dma_wait3A_314] : memref<2x256x64xf32, #tpu.memory_space<vmem>> -> memref<1x256x64xf32, #tpu.memory_space<vmem>>
    %dma_wait3A_316 = tpu.memref_squeeze %dma_wait3A_315 : memref<1x256x64xf32, #tpu.memory_space<vmem>> -> memref<256x64xf32, #tpu.memory_space<vmem>>
    %dma_wait3A_317 = arith.constant 818944 : i32
    %dma_wait3A_318 = arith.constant 0 : i32
    %dma_wait3A_319 = tpu.memref_slice %arg2[%dma_wait3A_317, %dma_wait3A_318] : memref<819200x64xf32, #tpu.memory_space<hbm>> -> memref<256x64xf32, #tpu.memory_space<hbm>>
    tpu.wait_dma2 semaphore(%arg12 : memref<!tpu.dma_semaphore, #tpu.memory_space<semaphore_mem>>) src(%dma_wait3A_319 : memref<256x64xf32, #tpu.memory_space<hbm>>) dst(%dma_wait3A_316 : memref<256x64xf32, #tpu.memory_space<vmem>>)
    return
  }
}

</mosaic_0001>

<sc_bundles>
// kernel: kernel.3.cloned.1.call-start
scs
__scs_entry_jumppad:
0x0: {  	(pc) =	sbr.rel $0x88, $3  }
0x1: {  	(tag) =	ssettag $0x0;
	lr =	simm.s32 $0x1  }
0x2: {  	[smem:$0x3F9E] =	sst lr;
	_ =	strace $0xD0000000  }
0x3: {  	_ = 	snop  }
0x4: {  	_ = 	snop  }
0x5: {  	_ = 	snop  }
0x6: {  	_ = 	snop  }
0x7: {  	_ = 	snop  }
__scs_overlays_trampoline_lowered:
0x8: {  	[smem:$0x3FAD] =	sst s0  }
0x9: {  	[smem:$0x3FAE] =	sst s1  }
0xa: {  	[smem:$0x3FAF] =	sst s2  }
0xb: {  	[smem:$0x3FB0] =	sst s3  }
0xc: {  	[smem:$0x3FB1] =	sst s4  }
0xd: {  	[smem:$0x3FB2] =	sst s5  }
0xe: {  	[smem:$0x3FB3] =	sst s6  }
0xf: {  	[smem:$0x3FB4] =	sst s7  }
0x10: {  	[smem:$0x3FB5] =	sst s8  }
0x11: {  	[smem:$0x3FB6] =	sst s9;
	s0 =	simm.s32 @!p0 $0x0  }
0x12: {  	s1 =	sld [smem:$0x3F9C];
	s0 =	simm.s32 @p0 $0x1  }
0x13: {  	[smem:$0x3FB7] =	sst s0;
	s0 =	simm.s32 @!p1 $0x0  }
0x14: {  	s2 =	sld [smem:$0x3F9B];
	s0 =	simm.s32 @p1 $0x1  }
0x15: {  	[smem:$0x3FB8] =	sst s0;
	s0 =	simm.s32 @!p2 $0x0  }
0x16: {  	s3 =	sld [smem:$0x3FDB];
	s0 =	simm.s32 @p2 $0x1  }
0x17: {  	s4 =	simm.s32 $0x1BF5;
	[smem:$0x3FBA] =	sst s0  }
0x18: {  	s0 =	sld [smem:$0x3F9D];
	_ =	swait.ge [sflag:s4], $0x0  }
0x19: {  	s7 =	sld [smem:$0x3F9E]  }
0x1a: {  	s8 =	sadd.s32 $0xFFFFE003, lr  }
0x1b: {  	s9 =	sadd.s32 $0xFFFFFEF7, lr;
	s5 =	simm.s32 $0xFFFFFFFF;
	p2 =	slt.u32 s8, $0xFFFFF086  }
0x1c: {  	p1 =	slt.u32 s9, $0xF7A;
	s5 =	simm.s32 @!p2 $0x0  }
0x1d: {  	s5 =	simm.s32 @p1 $0x1;
	p0 =	seq.s32 s7, s2  }
0x1e: {  	s7 =	smul.u32 @!p0 $0xF7A, s2;
	p2 =	seq.s32 @!p0 s5, $0x0  }
0x1f: {  	s9 =	smul.u32 $0xF7A, s1;
	s8 =	simm.s32 @!p0 $0x1BF5;
	p2 =	por !p2, p0  }
0x20: {  	[sflag:s8] =	ssyncset.s32 @!p0 $0xFFFFF086;
	s6 =	sadd.s32 @!p0 s3, s7;
	s7 =	simm.s32 @!p0 $0x108  }
0x21: {  	s3 =	sadd.s32 s3, s9;
	s6 =	sadd.s32 @!p0 $0x88, s6;
	s7 =	simm.s32 @p2 $0x1082  }
0x22: {  	[simem:s7], [sflag:s8] =	dma.local @!p0 [hbm:s6], $0xF7A  }
0x23: {  	s9 =	sor.u32 $0xD0000000, s2;
	s6 =	simm.s32 $0x108;
	_ =	swait.ge @!p0 [sflag:s8], $0x0  }
0x24: {  	s3 =	sadd.s32 $0x88, s3;
	s6 =	simm.s32 @!p1 $0x1082;
	[sflag:s4] =	ssyncset.s32 $0xFFFFF086  }
0x25: {  	[simem:s6], [sflag:s4] =	dma.local [hbm:s3], $0xF7A  }
0x26: {  	[smem:$0x3F9E] =	sst s1;
	(tag) =	ssettag s2;
	_ =	strace s9  }
0x27: {  	s1 =	sld [smem:$0x3FAE]  }
0x28: {  	s2 =	sld [smem:$0x3FAF]  }
0x29: {  	s4 =	sld [smem:$0x3FB1]  }
0x2a: {  	p0 =	seq.s32 s5, $0x0;
	s5 =	sld [smem:$0x3FB2]  }
0x2b: {  	s6 =	sld [smem:$0x3FB3]  }
0x2c: {  	s7 =	sld [smem:$0x3FB4]  }
0x2d: {  	s3 =	simm.s32 $0x108;
	s8 =	sld [smem:$0x3FB5]  }
0x2e: {  	s3 =	simm.s32 @!p0 $0x1082;
	s9 =	sld [smem:$0x3FB6]  }
0x2f: {  	lr =	sadd.s32 s0, s3;
	s0 =	sld [smem:$0x3FAD]  }
0x30: {  	s3 =	sld [smem:$0x3FB0]  }
0x31: {  	[smem:$0x3FB9] =	sst s10  }
0x32: {  	s10 =	sld [smem:$0x3FB7];
	_ =	sdelay $0x3  }
0x33: {  	p0 =	seq.s32 s10, $0x1;
	s10 =	sld [smem:$0x3FB9];
	_ =	sdelay $0x3  }
0x34: {  	[smem:$0x3FB9] =	sst s10  }
0x35: {  	s10 =	sld [smem:$0x3FB8];
	_ =	sdelay $0x3  }
0x36: {  	p1 =	seq.s32 s10, $0x1;
	s10 =	sld [smem:$0x3FB9];
	_ =	sdelay $0x3  }
0x37: {  	[smem:$0x3FB9] =	sst s10  }
0x38: {  	s10 =	sld [smem:$0x3FBA]  }
0x39: {  	_ = 	snop;
	(pc) =	sbr.ind lr, $3  }
0x3a: {  	_ = 	snop  }
0x3b: {  	_ = 	snop  }
0x3c: {  	p2 =	seq.s32 s10, $0x1;
	s10 =	sld [smem:$0x3FB9]  }
0x3d: {  	_ =	shalt  }
0x3e: {  	_ =	shalt  }
0x3f: {  	_ =	shalt  }
0x40: {  	_ =	shalt  }
0x41: {  	_ =	shalt  }
0x42: {  	_ =	shalt  }
0x43: {  	_ =	shalt  }
0x44: {  	_ =	shalt  }
0x45: {  	_ =	shalt  }
0x46: {  	_ =	shalt  }
0x47: {  	_ =	shalt  }
0x48: {  	_ =	shalt  }
0x49: {  	_ =	shalt  }
0x4a: {  	_ =	shalt  }
0x4b: {  	_ =	shalt  }
0x4c: {  	_ =	shalt  }
0x4d: {  	_ =	shalt  }
0x4e: {  	_ =	shalt  }
0x4f: {  	_ =	shalt  }
0x50: {  	_ =	shalt  }
0x51: {  	_ =	shalt  }
0x52: {  	_ =	shalt  }
0x53: {  	_ =	shalt  }
0x54: {  	_ =	shalt  }
0x55: {  	_ =	shalt  }
0x56: {  	_ =	shalt  }
0x57: {  	_ =	shalt  }
0x58: {  	_ =	shalt  }
0x59: {  	_ =	shalt  }
0x5a: {  	_ =	shalt  }
0x5b: {  	_ =	shalt  }
0x5c: {  	_ =	shalt  }
0x5d: {  	_ =	shalt  }
0x5e: {  	_ =	shalt  }
0x5f: {  	_ =	shalt  }
0x60: {  	_ =	shalt  }
0x61: {  	_ =	shalt  }
0x62: {  	_ =	shalt  }
0x63: {  	_ =	shalt  }
0x64: {  	_ =	shalt  }
0x65: {  	_ =	shalt  }
0x66: {  	_ =	shalt  }
0x67: {  	_ =	shalt  }
0x68: {  	_ =	shalt  }
0x69: {  	_ =	shalt  }
0x6a: {  	_ =	shalt  }
0x6b: {  	_ =	shalt  }
0x6c: {  	_ =	shalt  }
0x6d: {  	_ =	shalt  }
0x6e: {  	_ =	shalt  }
0x6f: {  	_ =	shalt  }
0x70: {  	_ =	shalt  }
0x71: {  	_ =	shalt  }
0x72: {  	_ =	shalt  }
0x73: {  	_ =	shalt  }
0x74: {  	_ =	shalt  }
0x75: {  	_ =	shalt  }
0x76: {  	_ =	shalt  }
0x77: {  	_ =	shalt  }
0x78: {  	_ =	shalt  }
0x79: {  	_ =	shalt  }
0x7a: {  	_ =	shalt  }
0x7b: {  	_ =	shalt  }
0x7c: {  	_ =	shalt  }
0x7d: {  	_ =	shalt  }
0x7e: {  	_ =	shalt  }
0x7f: {  	_ =	shalt  }
0x80: {  	_ =	shalt  }
0x81: {  	_ =	shalt  }
0x82: {  	_ =	shalt  }
0x83: {  	_ =	shalt  }
0x84: {  	_ =	shalt  }
0x85: {  	_ =	shalt  }
0x86: {  	_ =	shalt  }
0x87: {  	_ =	shalt  }
.Lfunc_end0:
.L_simem_size_0:
called_computation.1_lowered:
.L_overlay_start_0:
0x88: {  	s2 =	sld [smem:$0x3FD9]  }
0x89: {  	s3 =	sld [smem:$0x3FFE];
	_ =	sdelay $0x1  }
0x8a: {  	s1 =	srdreg.scid  }
0x8b: {  	s0 =	sand.u32 $0x1, s1  }
0x8c: {  	s17 =	sshll.u32 s0, $0xA;
	s2 =	sadd.s32 s3, s2  }
0x8d: {  	s2 =	sadd.s32 s2, s17  }
0x8e: {  	[smem:$0x3FC5] =	sst s2  }
0x8f: {  	_ = 	snop  }
0x90: {  	s2 =	sld [smem:$0x3FD0];
	(tm) =	ssettm $0x1  }
0x91: {  	s18 =	sld [smem:$0x3FFB];
	_ =	sdelay $0x3  }
0x92: {  	_ =	strace s18  }
0x93: {  	s3 =	sld [smem:$0x3FFC];
	_ =	sdelay $0x3  }
0x94: {  	_ =	strace s3  }
0x95: {  	s3 =	sld [smem:$0x3FFD];
	_ =	sdelay $0x3  }
0x96: {  	_ =	strace s3  }
0x97: {  	_ =	strace $0x8FFFFFFF  }
0x98: {  	s19 =	sld [smem:$0x3FDB];
	_ =	sdelay $0x1  }
0x99: {  	s4 =	simm.s32 $_scs_section_size  }
0x9a: {  	s5 =	simm.s32 $_size__tile_overlayer_lowered;
	s6 =	simm.s32 $_tile_overlayer_lowered  }
0x9b: {  	s22 =	simm.s32 $0x1BFF;
	s21 =	sshll.u32 s6, $0x1;
	s3 =	sadd.s32 s4, s19  }
0x9c: {  	s7 =	simm.s32 $0x0;
	s20 =	sshll.u32 s5, $0x1;
	s5 =	sadd.s32 s21, s3  }
0x9d: {  	[timem:s7], [sflag:s22] =	dma.local [hbm:s5], s20  }
0x9e: {  	_ =	swait.ge [sflag:s22], s20  }
0x9f: {  	s4 =	ssub.s32 $0x0, s20;
	[sflag:s22] =	ssyncset.done $0x0  }
0xa0: {  	[sflag:s22] =	ssyncadd.s32 s4;
	_ =	sdelay $0x1  }
0xa1: {  	s23 =	simm.s32 $0x1B8B  }
0xa2: {  	_ =	swait.ge [sflag:s23], $0x1  }
0xa3: {  	[sflag:s23] =	ssyncset.done $0x0  }
0xa4: {  	s25 =	simm.s32 $0x1B8E;
	s24 =	sld [smem:$0x3FFE];
	[sflag:s23] =	ssyncadd.s32 $0xFFFFFFFF  }
0xa5: {  	s26 =	simm.s32 $execute0_lowered;
	[smem:$0x3FD2] =	sst s25  }
0xa6: {  	s5 =	sshll.u32 s26, $0x1;
	_ =	strace $0x80000046;
	[dreg:$0x1] =	wrdreg $0xFFFFFFFF  }
0xa7: {  	s28 =	simm.s32 $_size_execute0_lowered;
	s3 =	sadd.s32 s3, s5;
	[dreg:$0x0] =	wrdreg $0x0  }
0xa8: {  	s5 =	sshll.u32 s28, $0x1;
	[dreg:$0x2] =	wrdreg s3  }
0xa9: {  	[dreg:$0x3] =	wrdreg s5  }
0xaa: {  	[dreg:$0x4] =	wrdreg $0xC0  }
0xab: {  	_ =	task [dreg:s7], $0x5FFFF  }
0xac: {  	[dreg:$0x1] =	wrdreg $0xFFFFFFFF  }
0xad: {  	[dreg:$0x0] =	wrdreg $0x60  }
0xae: {  	[dreg:$0x2] =	wrdreg s24  }
0xaf: {  	[dreg:$0x3] =	wrdreg s2  }
0xb0: {  	[dreg:$0x4] =	wrdreg $0x9  }
0xb1: {  	_ =	task.clear_ibuf [dreg:s7], $0x5FFFF;
	_ =	strace $0x90000046  }
0xb2: {  	s29 =	simm.s32 $0x9;
	_ =	strace $0x80000048  }
0xb3: {  	_ =	swait.ge [sflag:s29], $0x1  }
0xb4: {  	[sflag:s29] =	ssyncadd.s32 $0xFFFFFFFF  }
0xb5: {  	_ =	strace $0x90000048  }
0xb6: {  	_ =	sfence  }
0xb7: {  	s30 =	sld [smem:$0x0];
	_ =	sdelay $0x2  }
0xb8: {  	s31 =	sshll.u32 s1, $0xD;
	s1 =	sshrl.u32 s1, $0x2  }
0xb9: {  	s3 =	sand.u32 $0x4000, s31;
	s1 =	sadd.s32 s1, s30  }
0xba: {  	s0 =	sor.u32 s3, s0;
	s1 =	sshll.u32 s1, $0x11  }
0xbb: {  	s0 =	sor.u32 s1, s0  }
0xbc: {  	s0 =	sadd.s32 $0x8F2B, s0  }
0xbd: {  	[sflag:s0] =	ssyncadd.remote.s32 $0x1  }
0xbe: {  	_ =	sfence.sel $0xFFFF  }
0xbf: {  	[dreg:$0x0] =	wrdreg $0xFFFFFFFF;
	(pc) =	sbr.abs _section_cstart, $3  }
0xc0: {  	[dreg:$0x1] =	wrdreg $0xFFFFFFFF  }
0xc1: {  	_ =	task.clear_ibuf [dreg:s7], $0x2FFFF;
	_ =	strace $0x9FFFFFFF  }
0xc2: {  	(tm) =	ssettm $0x7FFFFFFF  }
0xc3: {  	_ =	shalt  }
tec
execute0_lowered:
.L_overlay_start_1:
0x0: {  	(tag) =	ssettag $0x1  }
0x1: {  	s0 =	rddreg [dreg:$0x0]  }
0x2: {  	s2 =	rddreg [dreg:$0x1]  }
0x3: {  	s3 =	simm.s32 $0x0;
	s1 =	srdreg.scid;
	s4 =	stileid.u32  }
0x4: {  	s29 =	simm.s32 $0x14400;
	s30 =	simm.s32 $0x3;
	s31 =	simm.s32 $0x5  }
0x5: {  	s14 =	simm.s32 $0x6;
	s1 =	sand.u32 $0x1, s1;
	s5 =	sshll.u32 s4, $0x1  }
0x6: {  	s15 =	simm.s32 $0x8;
	[smem:$0x7FF] =	sst s3;
	s8 =	sor.u32 s1, s5  }
0x7: {  	s4 =	sadd.s32 $0x14400, s0;
	s1 =	ssub.s32 $0x2, s1;
	s6 =	smul.u32 $0x6400, s8  }
0x8: {  	s7 =	sadd.s32 $0xC94400, s0;
	s18 =	sshrl.u32 s1, $0x1;
	s8 =	smul.u32 $0x64000, s8  }
0x9: {  	_ =	strace $0x80000047;
	s5 =	sadd.s32 $0xA00, s0;
	s0 =	ssub.s32 s1, s18  }
0xa: {  	s19 =	sshrl.u32 s6, $0x3;
	s9 =	sor.u32 $0x100, s6;
	s20 =	sadd.s32 s4, s8  }
0xb: {  	s10 =	sor.u32 $0x200, s6;
	s8 =	sadd.s32 s7, s8;
	s0 =	smax.u32 s0, $0x1  }
0xc: {  	s11 =	sadd.s32 s2, s19;
	[dreg:$0x4] =	wrdreg s20;
	s21 =	sshrl.u32 s9, $0x3  }
0xd: {  	s22 =	sshll.u32 s9, $0x4;
	s23 =	sshrl.u32 s10, $0x3;
	[dreg:$0x7] =	wrdreg s8  }
0xe: {  	s10 =	sshll.u32 s10, $0x4;
	[dreg:$0xb] =	wrdreg s0;
	s19 =	simm.s32 $0x100  }
0xf: {  	s20 =	simm.s32 $0x400;
	s9 =	sadd.s32 s4, s22;
	[dreg:$0x3] =	wrdreg s11  }
0x10: {  	s0 =	simm.s32 $0x2;
	s24 =	sadd.s32 s2, s23;
	[dreg:$0x6] =	wrdreg s9  }
0x11: {  	s8 =	simm.s32 $0x0;
	s25 =	sadd.s32 s4, s10;
	[dreg:$0x8] =	wrdreg s24  }
0x12: {  	s12 =	sadd.s32 s2, s21;
	s1 =	sadd.s32 s7, s22;
	[dreg:$0x9] =	wrdreg s25  }
0x13: {  	s26 =	sadd.s32 $0x10, s11;
	s21 =	simm.s32 $0x80;
	[dreg:$0xa] =	wrdreg s1  }
0x14: {  	s23 =	simm.s32 $0x8400;
	s11 =	simm.s32 $0x7;
	[dreg:$0xc] =	wrdreg s26  }
0x15: {  	[dreg:$0x5] =	wrdreg s12;
	s28 =	sadd.s32 $0x10, s12;
	s24 =	simm.s32 $0x1  }
0x16: {  	s26 =	simm.s32 $0x10400;
	s12 =	simm.s32 $0x4;
	[dreg:$0xd] =	wrdreg s28  }
.LBB2_1:
0x17: {  	[dreg:$0xe] =	wrdreg s8  }
0x18: {  	s1 =	rddreg [dreg:$0x3]  }
0x19: {  	[tilespmem:s3], [sflag:$0x1] =	stream.linear.gather [hbm4b:s1+s3], $0x80, $0x38;
	[tilespmem:$0x18400] =	vst v63  }
0x1a: {  	s10 =	rddreg [dreg:$0xc]  }
0x1b: {  	[tilespmem:s19], [sflag:$0x1] =	stream.linear.gather [hbm4b:s10+s3], $0x80, $0x38;
	[tilespmem:$0x18400] =	vst v63  }
0x1c: {  	s13 =	rddreg [dreg:$0x4]  }
0x1d: {  	[tilespmem:s20], [sflag:$0x3] =	stream.linear.gather [hbm4b:s13+s3], $0x8000, $0x38;
	[tilespmem:$0x18400] =	vst v63  }
0x1e: {  	s16 =	rddreg [dreg:$0x5]  }
0x1f: {  	[tilespmem:s21], [sflag:$0x2] =	stream.linear.gather [hbm4b:s16+s3], $0x80, $0x38;
	[tilespmem:$0x18400] =	vst v63  }
0x20: {  	s17 =	rddreg [dreg:$0xd];
	s18 =	simm.s32 $0x180  }
0x21: {  	[tilespmem:s18], [sflag:$0x2] =	stream.linear.gather [hbm4b:s17+s3], $0x80, $0x38;
	[tilespmem:$0x18400] =	vst v63  }
0x22: {  	s22 =	rddreg [dreg:$0x6]  }
0x23: {  	[tilespmem:s23], [sflag:$0x4] =	stream.linear.gather [hbm4b:s22+s3], $0x8000, $0x38;
	[tilespmem:$0x18400] =	vst v63  }
0x24: {  	_ =	swait.ge [sflag:s24], $0x100  }
0x25: {  	s25 =	sand.u32 $0x70, s3;
	s28 =	sand.u32 $0x100, s3;
	[sflag:s24] =	ssyncset.done $0x0  }
0x26: {  	s8 =	sor.u32 s25, s28;
	[sflag:s24] =	ssyncadd.s32 $0xFFFFFF00  }
0x27: {  	v0 =	vld [tilespmem:s8+$0x0];
	_ =	sdelay $0x4  }
0x28: {  	v0 =	vmul.f32 $5.000000000e+03, v0;
	_ =	sdelay $0x1  }
0x29: {  	s10 =	simm.s32 $0x10;
	s13 =	sand.u32 $0x200, s3;
	s16 =	simm.s32 $0x80;
	v0 =	vtrunc.f32 v0  }
0x2a: {  	s17 =	sand.u32 $0x70, s10;
	s22 =	sshrl.u32 s13, $0x2;
	s13 =	simm.s32 $0x20;
	v0 =	vcvt.f32.s32 v0  }
0x2b: {  	s18 =	sand.u32 $0x100, s13;
	s22 =	sor.u32 s25, s22;
	s8 =	simm.s32 $0x40  }
.LBB2_2:
0x2c: {  	p0 =	sne.s32 s16, $0x3C0;
	s1 =	sor.u32 s17, s18;
	[tilespmem:s22+$0x200] =	vst v0;
	s22 =	smov.u32 s17  }
0x2d: {  	v0 =	vld [tilespmem:s1+$0x0];
	_ =	sdelay $0x4  }
.Ltmp0:
0x2e: {  	v0 =	vmul.f32 $5.000000000e+03, v0;
	(pc) =	sbr.rel @p0 .LBB2_2-.Ltmp0, $4  }
0x2f: {  	_ = 	snop  }
0x30: {  	s10 =	sadd.s32 $0x10, s10;
	s1 =	sand.u32 $0x200, s8;
	s8 =	smov.u32 s16;
	v0 =	vtrunc.f32 v0  }
0x31: {  	s13 =	sadd.s32 $0x20, s13;
	s17 =	sand.u32 $0x70, s10;
	s1 =	sshrl.u32 s1, $0x2;
	v0 =	vcvt.f32.s32 v0  }
0x32: {  	s18 =	sand.u32 $0x100, s13;
	s16 =	sadd.s32 $0x40, s16;
	s22 =	sor.u32 s22, s1  }
0x33: {  	s1 =	sor.u32 s17, s18;
	[tilespmem:s22+$0x200] =	vst v0  }
0x34: {  	v0 =	vld [tilespmem:s1+$0x0];
	_ =	sdelay $0x4  }
0x35: {  	v0 =	vmul.f32 $5.000000000e+03, v0;
	_ =	sdelay $0x1  }
0x36: {  	s22 =	sand.u32 $0x200, s8;
	v0 =	vtrunc.f32 v0  }
0x37: {  	s1 =	sshrl.u32 s22, $0x2;
	v0 =	vcvt.f32.s32 v0  }
0x38: {  	s1 =	sor.u32 s17, s1  }
0x39: {  	s25 =	simm.s32 $0x200;
	[tilespmem:s1+$0x200] =	vst v0  }
0x3a: {  	[tilespmem:s26], [sflag:$0x5] =	stream.indirect.gather [hbm4b:s5+s21], $0x80, s25, s21, $0xb8;
	[tilespmem:$0x18400] =	vst v63  }
0x3b: {  	s28 =	simm.s32 $0x280  }
0x3c: {  	[tilespmem:s29], [sflag:$0x5] =	stream.indirect.gather [hbm4b:s5+s21], $0x80, s28, s21, $0xb8;
	[tilespmem:$0x18400] =	vst v63  }
0x3d: {  	_ =	swait.ge [sflag:s30], $0x8000  }
0x3e: {  	[sflag:s30] =	ssyncset.done $0x0  }
0x3f: {  	[sflag:s30] =	ssyncadd.s32 $0xFFFF8000  }
0x40: {  	_ =	swait.ge [sflag:s31], $0x4000  }
0x41: {  	[sflag:s31] =	ssyncset.done $0x0  }
0x42: {  	[sflag:s31] =	ssyncadd.s32 $0xFFFFC000  }
0x43: {  	_ =	swait.ge [sflag:s31], $0x4000  }
0x44: {  	[sflag:s31] =	ssyncset.done $0x0  }
0x45: {  	s8 =	simm.s32 $0x0;
	[sflag:s31] =	ssyncadd.s32 $0xFFFFC000  }
0x46: {  	v1 =	vld [tilespmem:s8+$0x10430]  }
0x47: {  	v2 =	vld [tilespmem:s8+$0x10400]  }
0x48: {  	v3 =	vld [tilespmem:s8+$0x10410]  }
0x49: {  	v0 =	vld [tilespmem:s8+$0x10420];
	_ =	sdelay $0x1  }
0x4a: {  	[tilespmem:s8+$0x430] =	vst.add.f32.msk $0xffff, v1  }
0x4b: {  	[tilespmem:s8+$0x400] =	vst.add.f32.msk $0xffff, v2  }
0x4c: {  	s10 =	simm.s32 $0x80;
	s13 =	simm.s32 $0x400;
	[tilespmem:s8+$0x410] =	vst.add.f32.msk $0xffff, v3  }
.LBB2_4:
0x4d: {  	p0 =	sne.s32 s13, $0x1FE00;
	v1 =	vld [tilespmem:s10+$0x10430];
	v2 =	vmov v0  }
0x4e: {  	v3 =	vld [tilespmem:s10+$0x10400]  }
0x4f: {  	v4 =	vld [tilespmem:s10+$0x10410]  }
.Ltmp1:
0x50: {  	v0 =	vld [tilespmem:s10+$0x10420];
	(pc) =	sbr.rel @p0 .LBB2_4-.Ltmp1, $4  }
0x51: {  	[tilespmem:s8+$0x420] =	vst.add.f32.msk $0xffff, v2;
	s8 =	smov.u32 s10  }
0x52: {  	[tilespmem:s8+$0x430] =	vst.add.f32.msk $0xffff, v1  }
0x53: {  	[tilespmem:s8+$0x400] =	vst.add.f32.msk $0xffff, v3  }
0x54: {  	s10 =	sshra.s32 s13, $0x2;
	s13 =	sadd.s32 $0x200, s13;
	[tilespmem:s8+$0x410] =	vst.add.f32.msk $0xffff, v4  }
0x55: {  	v1 =	vld [tilespmem:s10+$0x10430]  }
0x56: {  	v2 =	vld [tilespmem:s10+$0x10400]  }
0x57: {  	v3 =	vld [tilespmem:s10+$0x10410]  }
0x58: {  	v4 =	vld [tilespmem:s10+$0x10420]  }
0x59: {  	[tilespmem:s8+$0x420] =	vst.add.f32.msk $0xffff, v0  }
0x5a: {  	[tilespmem:s10+$0x430] =	vst.add.f32.msk $0xffff, v1  }
0x5b: {  	[tilespmem:s10+$0x400] =	vst.add.f32.msk $0xffff, v2  }
0x5c: {  	[tilespmem:s10+$0x410] =	vst.add.f32.msk $0xffff, v3  }
0x5d: {  	s1 =	simm.s32 $0x0;
	s25 =	rddreg [dreg:$0x7];
	[tilespmem:s10+$0x420] =	vst.add.f32.msk $0xffff, v4  }
0x5e: {  	[hbm4b:s25+s1] =	stream.linear.scatter [tilespmem:s20], [sflag:$0x7], $0x8000, $0x38;
	[tilespmem:$0x18400] =	vst v63  }
0x5f: {  	_ =	swait.ge [sflag:s0], $0x100  }
0x60: {  	s22 =	sand.u32 $0x70, s1;
	s28 =	sand.u32 $0x100, s1;
	[sflag:s0] =	ssyncset.done $0x0  }
0x61: {  	s8 =	sor.u32 s22, s28;
	[sflag:s0] =	ssyncadd.s32 $0xFFFFFF00  }
0x62: {  	v0 =	vld [tilespmem:s8+$0x80];
	_ =	sdelay $0x4  }
0x63: {  	v0 =	vmul.f32 $5.000000000e+03, v0;
	_ =	sdelay $0x1  }
0x64: {  	s13 =	simm.s32 $0x20;
	s16 =	simm.s32 $0x80;
	s1 =	sand.u32 $0x200, s1;
	v0 =	vtrunc.f32 v0  }
0x65: {  	s18 =	sand.u32 $0x100, s13;
	s10 =	simm.s32 $0x10;
	s1 =	sshrl.u32 s1, $0x2;
	v0 =	vcvt.f32.s32 v0  }
0x66: {  	s17 =	sand.u32 $0x70, s10;
	s22 =	sor.u32 s22, s1;
	s8 =	simm.s32 $0x40  }
.LBB2_6:
0x67: {  	p0 =	sne.s32 s16, $0x3C0;
	s1 =	sor.u32 s17, s18;
	[tilespmem:s22+$0x300] =	vst v0;
	s22 =	smov.u32 s17  }
0x68: {  	v0 =	vld [tilespmem:s1+$0x80];
	_ =	sdelay $0x4  }
.Ltmp2:
0x69: {  	v0 =	vmul.f32 $5.000000000e+03, v0;
	(pc) =	sbr.rel @p0 .LBB2_6-.Ltmp2, $4  }
0x6a: {  	_ = 	snop  }
0x6b: {  	s10 =	sadd.s32 $0x10, s10;
	s1 =	sand.u32 $0x200, s8;
	s8 =	smov.u32 s16;
	v0 =	vtrunc.f32 v0  }
0x6c: {  	s13 =	sadd.s32 $0x20, s13;
	s17 =	sand.u32 $0x70, s10;
	s1 =	sshrl.u32 s1, $0x2;
	v0 =	vcvt.f32.s32 v0  }
0x6d: {  	s18 =	sand.u32 $0x100, s13;
	s16 =	sadd.s32 $0x40, s16;
	s22 =	sor.u32 s22, s1  }
0x6e: {  	s1 =	sor.u32 s17, s18;
	[tilespmem:s22+$0x300] =	vst v0  }
0x6f: {  	v0 =	vld [tilespmem:s1+$0x80];
	_ =	sdelay $0x4  }
0x70: {  	v0 =	vmul.f32 $5.000000000e+03, v0;
	_ =	sdelay $0x1  }
0x71: {  	s16 =	sand.u32 $0x200, s8;
	v0 =	vtrunc.f32 v0  }
0x72: {  	s1 =	sshrl.u32 s16, $0x2;
	v0 =	vcvt.f32.s32 v0  }
0x73: {  	s1 =	sor.u32 s17, s1  }
0x74: {  	s17 =	simm.s32 $0x300;
	[tilespmem:s1+$0x300] =	vst v0  }
0x75: {  	[tilespmem:s26], [sflag:$0x6] =	stream.indirect.gather [hbm4b:s5+s21], $0x80, s17, s21, $0xb8;
	[tilespmem:$0x18400] =	vst v63  }
0x76: {  	s18 =	simm.s32 $0x380  }
0x77: {  	[tilespmem:s29], [sflag:$0x6] =	stream.indirect.gather [hbm4b:s5+s21], $0x80, s18, s21, $0xb8;
	[tilespmem:$0x18400] =	vst v63  }
0x78: {  	_ =	swait.ge [sflag:s11], $0x8000  }
0x79: {  	[sflag:s11] =	ssyncset.done $0x0  }
0x7a: {  	s22 =	simm.s32 $0x0;
	s25 =	rddreg [dreg:$0x8];
	[sflag:s11] =	ssyncadd.s32 $0xFFFF8000  }
0x7b: {  	[tilespmem:s22], [sflag:$0x1] =	stream.linear.gather [hbm4b:s25+s22], $0x80, $0x38;
	[tilespmem:$0x18400] =	vst v63  }
0x7c: {  	s8 =	sadd.s32 $0x10, s25  }
0x7d: {  	[tilespmem:s19], [sflag:$0x1] =	stream.linear.gather [hbm4b:s8+s22], $0x80, $0x38;
	[tilespmem:$0x18400] =	vst v63  }
0x7e: {  	s28 =	rddreg [dreg:$0x9]  }
0x7f: {  	[tilespmem:s20], [sflag:$0x3] =	stream.linear.gather [hbm4b:s28+s22], $0x8000, $0x38;
	[tilespmem:$0x18400] =	vst v63  }
0x80: {  	_ =	swait.ge [sflag:s12], $0x8000  }
0x81: {  	[sflag:s12] =	ssyncset.done $0x0  }
0x82: {  	[sflag:s12] =	ssyncadd.s32 $0xFFFF8000  }
0x83: {  	_ =	swait.ge [sflag:s14], $0x4000  }
0x84: {  	[sflag:s14] =	ssyncset.done $0x0  }
0x85: {  	[sflag:s14] =	ssyncadd.s32 $0xFFFFC000  }
0x86: {  	_ =	swait.ge [sflag:s14], $0x4000  }
0x87: {  	[sflag:s14] =	ssyncset.done $0x0  }
0x88: {  	s8 =	simm.s32 $0x0;
	[sflag:s14] =	ssyncadd.s32 $0xFFFFC000  }
0x89: {  	v1 =	vld [tilespmem:s8+$0x10430]  }
0x8a: {  	v2 =	vld [tilespmem:s8+$0x10400]  }
0x8b: {  	v3 =	vld [tilespmem:s8+$0x10410]  }
0x8c: {  	v0 =	vld [tilespmem:s8+$0x10420];
	_ =	sdelay $0x1  }
0x8d: {  	[tilespmem:s8+$0x8430] =	vst.add.f32.msk $0xffff, v1  }
0x8e: {  	[tilespmem:s8+$0x8400] =	vst.add.f32.msk $0xffff, v2  }
0x8f: {  	s10 =	simm.s32 $0x80;
	s13 =	simm.s32 $0x400;
	[tilespmem:s8+$0x8410] =	vst.add.f32.msk $0xffff, v3  }
.LBB2_8:
0x90: {  	p0 =	sne.s32 s13, $0x1FE00;
	v1 =	vld [tilespmem:s10+$0x10430];
	v2 =	vmov v0  }
0x91: {  	v3 =	vld [tilespmem:s10+$0x10400]  }
0x92: {  	v4 =	vld [tilespmem:s10+$0x10410]  }
.Ltmp3:
0x93: {  	v0 =	vld [tilespmem:s10+$0x10420];
	(pc) =	sbr.rel @p0 .LBB2_8-.Ltmp3, $4  }
0x94: {  	[tilespmem:s8+$0x8420] =	vst.add.f32.msk $0xffff, v2;
	s8 =	smov.u32 s10  }
0x95: {  	[tilespmem:s8+$0x8430] =	vst.add.f32.msk $0xffff, v1  }
0x96: {  	[tilespmem:s8+$0x8400] =	vst.add.f32.msk $0xffff, v3  }
0x97: {  	s10 =	sshra.s32 s13, $0x2;
	s13 =	sadd.s32 $0x200, s13;
	[tilespmem:s8+$0x8410] =	vst.add.f32.msk $0xffff, v4  }
0x98: {  	v1 =	vld [tilespmem:s10+$0x10430]  }
0x99: {  	v2 =	vld [tilespmem:s10+$0x10400]  }
0x9a: {  	v3 =	vld [tilespmem:s10+$0x10410]  }
0x9b: {  	v4 =	vld [tilespmem:s10+$0x10420]  }
0x9c: {  	[tilespmem:s8+$0x8420] =	vst.add.f32.msk $0xffff, v0  }
0x9d: {  	[tilespmem:s10+$0x8430] =	vst.add.f32.msk $0xffff, v1  }
0x9e: {  	[tilespmem:s10+$0x8400] =	vst.add.f32.msk $0xffff, v2  }
0x9f: {  	[tilespmem:s10+$0x8410] =	vst.add.f32.msk $0xffff, v3  }
0xa0: {  	s1 =	rddreg [dreg:$0xa];
	s17 =	simm.s32 $0x1;
	[tilespmem:s10+$0x8420] =	vst.add.f32.msk $0xffff, v4  }
0xa1: {  	[hbm4b:s1+s3] =	stream.linear.scatter [tilespmem:s23], [sflag:$0x8], $0x8000, $0x38;
	[tilespmem:$0x18400] =	vst v63  }
.LBB2_10:
0xa2: {  	s1 =	sshll.u32 s17, $0x9  }
0xa3: {  	s8 =	sadd.s32 s6, s1  }
0xa4: {  	_ =	swait.ge [sflag:s15], $0x8000;
	s1 =	sor.u32 $0x100, s8  }
0xa5: {  	[sflag:s15] =	ssyncset.done $0x0;
	s10 =	sshrl.u32 s1, $0x3  }
0xa6: {  	s13 =	simm.s32 $0x0;
	[sflag:s15] =	ssyncadd.s32 $0xFFFF8000;
	s10 =	sadd.s32 s2, s10  }
0xa7: {  	[tilespmem:s21], [sflag:$0x2] =	stream.linear.gather [hbm4b:s10+s13], $0x80, $0x38;
	[tilespmem:$0x18400] =	vst v63  }
0xa8: {  	s9 =	simm.s32 $0x180;
	s18 =	sshll.u32 s1, $0x4;
	s10 =	sadd.s32 $0x10, s10  }
0xa9: {  	[tilespmem:s9], [sflag:$0x2] =	stream.linear.gather [hbm4b:s10+s13], $0x80, $0x38;
	[tilespmem:$0x18400] =	vst v63  }
0xaa: {  	s1 =	sadd.s32 s4, s18  }
0xab: {  	[tilespmem:s23], [sflag:$0x4] =	stream.linear.gather [hbm4b:s1+s13], $0x8000, $0x38;
	[tilespmem:$0x18400] =	vst v63  }
0xac: {  	_ =	swait.ge [sflag:s24], $0x100  }
0xad: {  	s25 =	sand.u32 $0x100, s13;
	s1 =	sand.u32 $0x70, s13;
	[sflag:s24] =	ssyncset.done $0x0  }
0xae: {  	s10 =	sor.u32 s1, s25;
	[sflag:s24] =	ssyncadd.s32 $0xFFFFFF00  }
0xaf: {  	v0 =	vld [tilespmem:s10+$0x0];
	_ =	sdelay $0x4  }
0xb0: {  	v0 =	vmul.f32 $5.000000000e+03, v0  }
0xb1: {  	s16 =	sand.u32 $0x200, s13  }
0xb2: {  	s9 =	sshrl.u32 s16, $0x2;
	s16 =	simm.s32 $0x20;
	v0 =	vtrunc.f32 v0  }
0xb3: {  	s22 =	simm.s32 $0x80;
	s28 =	sand.u32 $0x100, s16;
	s13 =	simm.s32 $0x10;
	v0 =	vcvt.f32.s32 v0  }
0xb4: {  	s25 =	sand.u32 $0x70, s13;
	s1 =	sor.u32 s1, s9;
	s10 =	simm.s32 $0x40  }
.LBB2_11:
0xb5: {  	p0 =	sne.s32 s22, $0x3C0;
	s9 =	sor.u32 s25, s28;
	[tilespmem:s1+$0x200] =	vst v0;
	s1 =	smov.u32 s25  }
0xb6: {  	v0 =	vld [tilespmem:s9+$0x0];
	_ =	sdelay $0x4  }
.Ltmp4:
0xb7: {  	v0 =	vmul.f32 $5.000000000e+03, v0;
	(pc) =	sbr.rel @p0 .LBB2_11-.Ltmp4, $4  }
0xb8: {  	_ = 	snop  }
0xb9: {  	s13 =	sadd.s32 $0x10, s13;
	s9 =	sand.u32 $0x200, s10;
	s10 =	smov.u32 s22;
	v0 =	vtrunc.f32 v0  }
0xba: {  	s16 =	sadd.s32 $0x20, s16;
	s25 =	sand.u32 $0x70, s13;
	s9 =	sshrl.u32 s9, $0x2;
	v0 =	vcvt.f32.s32 v0  }
0xbb: {  	s28 =	sand.u32 $0x100, s16;
	s22 =	sadd.s32 $0x40, s22;
	s1 =	sor.u32 s1, s9  }
0xbc: {  	s9 =	sor.u32 s25, s28;
	[tilespmem:s1+$0x200] =	vst v0  }
0xbd: {  	v0 =	vld [tilespmem:s9+$0x0];
	_ =	sdelay $0x4  }
0xbe: {  	v0 =	vmul.f32 $5.000000000e+03, v0;
	_ =	sdelay $0x1  }
0xbf: {  	s22 =	sand.u32 $0x200, s10;
	v0 =	vtrunc.f32 v0  }
0xc0: {  	s1 =	sshrl.u32 s22, $0x2;
	v0 =	vcvt.f32.s32 v0  }
0xc1: {  	s1 =	sor.u32 s25, s1  }
0xc2: {  	s25 =	simm.s32 $0x200;
	[tilespmem:s1+$0x200] =	vst v0  }
0xc3: {  	[tilespmem:s26], [sflag:$0x5] =	stream.indirect.gather [hbm4b:s5+s21], $0x80, s25, s21, $0xb8;
	[tilespmem:$0x18400] =	vst v63  }
0xc4: {  	s28 =	simm.s32 $0x280  }
0xc5: {  	[tilespmem:s29], [sflag:$0x5] =	stream.indirect.gather [hbm4b:s5+s21], $0x80, s28, s21, $0xb8;
	[tilespmem:$0x18400] =	vst v63  }
0xc6: {  	_ =	swait.ge [sflag:s30], $0x8000  }
0xc7: {  	[sflag:s30] =	ssyncset.done $0x0  }
0xc8: {  	[sflag:s30] =	ssyncadd.s32 $0xFFFF8000  }
0xc9: {  	_ =	swait.ge [sflag:s31], $0x4000  }
0xca: {  	[sflag:s31] =	ssyncset.done $0x0  }
0xcb: {  	[sflag:s31] =	ssyncadd.s32 $0xFFFFC000  }
0xcc: {  	_ =	swait.ge [sflag:s31], $0x4000  }
0xcd: {  	[sflag:s31] =	ssyncset.done $0x0  }
0xce: {  	s10 =	simm.s32 $0x0;
	[sflag:s31] =	ssyncadd.s32 $0xFFFFC000  }
0xcf: {  	v1 =	vld [tilespmem:s10+$0x10430]  }
0xd0: {  	v2 =	vld [tilespmem:s10+$0x10400]  }
0xd1: {  	v3 =	vld [tilespmem:s10+$0x10410]  }
0xd2: {  	v0 =	vld [tilespmem:s10+$0x10420];
	_ =	sdelay $0x1  }
0xd3: {  	[tilespmem:s10+$0x430] =	vst.add.f32.msk $0xffff, v1  }
0xd4: {  	[tilespmem:s10+$0x400] =	vst.add.f32.msk $0xffff, v2  }
0xd5: {  	s13 =	simm.s32 $0x80;
	s16 =	simm.s32 $0x400;
	[tilespmem:s10+$0x410] =	vst.add.f32.msk $0xffff, v3  }
.LBB2_13:
0xd6: {  	p0 =	sne.s32 s16, $0x1FE00;
	v1 =	vld [tilespmem:s13+$0x10430];
	v2 =	vmov v0  }
0xd7: {  	v3 =	vld [tilespmem:s13+$0x10400]  }
0xd8: {  	v4 =	vld [tilespmem:s13+$0x10410]  }
.Ltmp5:
0xd9: {  	v0 =	vld [tilespmem:s13+$0x10420];
	(pc) =	sbr.rel @p0 .LBB2_13-.Ltmp5, $4  }
0xda: {  	[tilespmem:s10+$0x420] =	vst.add.f32.msk $0xffff, v2;
	s10 =	smov.u32 s13  }
0xdb: {  	[tilespmem:s10+$0x430] =	vst.add.f32.msk $0xffff, v1  }
0xdc: {  	[tilespmem:s10+$0x400] =	vst.add.f32.msk $0xffff, v3  }
0xdd: {  	s13 =	sshra.s32 s16, $0x2;
	s16 =	sadd.s32 $0x200, s16;
	[tilespmem:s10+$0x410] =	vst.add.f32.msk $0xffff, v4  }
0xde: {  	v1 =	vld [tilespmem:s13+$0x10430]  }
0xdf: {  	v2 =	vld [tilespmem:s13+$0x10400]  }
0xe0: {  	v3 =	vld [tilespmem:s13+$0x10410]  }
0xe1: {  	v4 =	vld [tilespmem:s13+$0x10420]  }
0xe2: {  	[tilespmem:s10+$0x420] =	vst.add.f32.msk $0xffff, v0  }
0xe3: {  	[tilespmem:s13+$0x430] =	vst.add.f32.msk $0xffff, v1  }
0xe4: {  	[tilespmem:s13+$0x400] =	vst.add.f32.msk $0xffff, v2  }
0xe5: {  	s1 =	sshll.u32 s8, $0x4;
	[tilespmem:s13+$0x410] =	vst.add.f32.msk $0xffff, v3  }
0xe6: {  	s9 =	simm.s32 $0x0;
	s1 =	sadd.s32 s7, s1;
	[tilespmem:s13+$0x420] =	vst.add.f32.msk $0xffff, v4  }
0xe7: {  	[hbm4b:s1+s9] =	stream.linear.scatter [tilespmem:s20], [sflag:$0x7], $0x8000, $0x38;
	[tilespmem:$0x18400] =	vst v63  }
0xe8: {  	_ =	swait.ge [sflag:s0], $0x100  }
0xe9: {  	s25 =	sand.u32 $0x100, s9;
	s1 =	sand.u32 $0x70, s9;
	[sflag:s0] =	ssyncset.done $0x0  }
0xea: {  	s10 =	sor.u32 s1, s25;
	[sflag:s0] =	ssyncadd.s32 $0xFFFFFF00  }
0xeb: {  	v0 =	vld [tilespmem:s10+$0x80];
	_ =	sdelay $0x4  }
0xec: {  	v0 =	vmul.f32 $5.000000000e+03, v0;
	_ =	sdelay $0x1  }
0xed: {  	s16 =	simm.s32 $0x20;
	s22 =	simm.s32 $0x80;
	s9 =	sand.u32 $0x200, s9;
	v0 =	vtrunc.f32 v0  }
0xee: {  	s28 =	sand.u32 $0x100, s16;
	s13 =	simm.s32 $0x10;
	s9 =	sshrl.u32 s9, $0x2;
	v0 =	vcvt.f32.s32 v0  }
0xef: {  	s25 =	sand.u32 $0x70, s13;
	s1 =	sor.u32 s1, s9;
	s10 =	simm.s32 $0x40  }
.LBB2_15:
0xf0: {  	p0 =	sne.s32 s22, $0x3C0;
	s9 =	sor.u32 s25, s28;
	[tilespmem:s1+$0x300] =	vst v0;
	s1 =	smov.u32 s25  }
0xf1: {  	v0 =	vld [tilespmem:s9+$0x80];
	_ =	sdelay $0x4  }
.Ltmp6:
0xf2: {  	v0 =	vmul.f32 $5.000000000e+03, v0;
	(pc) =	sbr.rel @p0 .LBB2_15-.Ltmp6, $4  }
0xf3: {  	_ = 	snop  }
0xf4: {  	s13 =	sadd.s32 $0x10, s13;
	s9 =	sand.u32 $0x200, s10;
	s10 =	smov.u32 s22;
	v0 =	vtrunc.f32 v0  }
0xf5: {  	s16 =	sadd.s32 $0x20, s16;
	s25 =	sand.u32 $0x70, s13;
	s9 =	sshrl.u32 s9, $0x2;
	v0 =	vcvt.f32.s32 v0  }
0xf6: {  	s28 =	sand.u32 $0x100, s16;
	s22 =	sadd.s32 $0x40, s22;
	s1 =	sor.u32 s1, s9  }
0xf7: {  	s9 =	sor.u32 s25, s28;
	[tilespmem:s1+$0x300] =	vst v0  }
0xf8: {  	v0 =	vld [tilespmem:s9+$0x80];
	_ =	sdelay $0x4  }
0xf9: {  	v0 =	vmul.f32 $5.000000000e+03, v0;
	_ =	sdelay $0x1  }
0xfa: {  	s10 =	sand.u32 $0x200, s10;
	v0 =	vtrunc.f32 v0  }
0xfb: {  	s1 =	sshrl.u32 s10, $0x2;
	v0 =	vcvt.f32.s32 v0  }
0xfc: {  	s1 =	sor.u32 s25, s1  }
0xfd: {  	s13 =	simm.s32 $0x300;
	[tilespmem:s1+$0x300] =	vst v0  }
0xfe: {  	[tilespmem:s26], [sflag:$0x6] =	stream.indirect.gather [hbm4b:s5+s21], $0x80, s13, s21, $0xb8;
	[tilespmem:$0x18400] =	vst v63  }
0xff: {  	s16 =	smin.u32 s8, $0xC7D00;
	s22 =	simm.s32 $0x380  }
0x100: {  	[tilespmem:s29], [sflag:$0x6] =	stream.indirect.gather [hbm4b:s5+s21], $0x80, s22, s21, $0xb8;
	[tilespmem:$0x18400] =	vst v63  }
0x101: {  	s1 =	sadd.s32 $0x200, s16;
	_ =	swait.ge [sflag:s11], $0x8000  }
0x102: {  	s25 =	sshrl.u32 s1, $0x3;
	[sflag:s11] =	ssyncset.done $0x0  }
0x103: {  	s28 =	simm.s32 $0x0;
	s8 =	sadd.s32 s2, s25;
	[sflag:s11] =	ssyncadd.s32 $0xFFFF8000  }
0x104: {  	[tilespmem:s28], [sflag:$0x1] =	stream.linear.gather [hbm4b:s8+s28], $0x80, $0x38;
	[tilespmem:$0x18400] =	vst v63  }
0x105: {  	s1 =	sshll.u32 s1, $0x4;
	s8 =	sadd.s32 $0x10, s8  }
0x106: {  	[tilespmem:s19], [sflag:$0x1] =	stream.linear.gather [hbm4b:s8+s28], $0x80, $0x38;
	[tilespmem:$0x18400] =	vst v63  }
0x107: {  	s1 =	sadd.s32 s4, s1  }
0x108: {  	[tilespmem:s20], [sflag:$0x3] =	stream.linear.gather [hbm4b:s1+s28], $0x8000, $0x38;
	[tilespmem:$0x18400] =	vst v63  }
0x109: {  	_ =	swait.ge [sflag:s12], $0x8000  }
0x10a: {  	[sflag:s12] =	ssyncset.done $0x0  }
0x10b: {  	[sflag:s12] =	ssyncadd.s32 $0xFFFF8000  }
0x10c: {  	_ =	swait.ge [sflag:s14], $0x4000  }
0x10d: {  	[sflag:s14] =	ssyncset.done $0x0  }
0x10e: {  	[sflag:s14] =	ssyncadd.s32 $0xFFFFC000  }
0x10f: {  	_ =	swait.ge [sflag:s14], $0x4000  }
0x110: {  	[sflag:s14] =	ssyncset.done $0x0  }
0x111: {  	s8 =	simm.s32 $0x0;
	[sflag:s14] =	ssyncadd.s32 $0xFFFFC000  }
0x112: {  	v1 =	vld [tilespmem:s8+$0x10430]  }
0x113: {  	v2 =	vld [tilespmem:s8+$0x10400]  }
0x114: {  	v3 =	vld [tilespmem:s8+$0x10410]  }
0x115: {  	v0 =	vld [tilespmem:s8+$0x10420];
	_ =	sdelay $0x1  }
0x116: {  	[tilespmem:s8+$0x8430] =	vst.add.f32.msk $0xffff, v1  }
0x117: {  	[tilespmem:s8+$0x8400] =	vst.add.f32.msk $0xffff, v2  }
0x118: {  	s10 =	simm.s32 $0x80;
	s13 =	simm.s32 $0x400;
	[tilespmem:s8+$0x8410] =	vst.add.f32.msk $0xffff, v3  }
.LBB2_17:
0x119: {  	p0 =	sne.s32 s13, $0x1FE00;
	v1 =	vld [tilespmem:s10+$0x10430];
	v2 =	vmov v0  }
0x11a: {  	v3 =	vld [tilespmem:s10+$0x10400]  }
0x11b: {  	v4 =	vld [tilespmem:s10+$0x10410]  }
.Ltmp7:
0x11c: {  	v0 =	vld [tilespmem:s10+$0x10420];
	(pc) =	sbr.rel @p0 .LBB2_17-.Ltmp7, $4  }
0x11d: {  	[tilespmem:s8+$0x8420] =	vst.add.f32.msk $0xffff, v2;
	s8 =	smov.u32 s10  }
0x11e: {  	[tilespmem:s8+$0x8430] =	vst.add.f32.msk $0xffff, v1  }
0x11f: {  	[tilespmem:s8+$0x8400] =	vst.add.f32.msk $0xffff, v3  }
0x120: {  	s10 =	sshra.s32 s13, $0x2;
	s13 =	sadd.s32 $0x200, s13;
	[tilespmem:s8+$0x8410] =	vst.add.f32.msk $0xffff, v4  }
0x121: {  	v1 =	vld [tilespmem:s10+$0x10430]  }
0x122: {  	v2 =	vld [tilespmem:s10+$0x10400]  }
0x123: {  	v3 =	vld [tilespmem:s10+$0x10410]  }
0x124: {  	v4 =	vld [tilespmem:s10+$0x10420];
	s17 =	sadd.s32 $0x1, s17  }
0x125: {  	[tilespmem:s8+$0x8420] =	vst.add.f32.msk $0xffff, v0;
	p0 =	sne.s32 s17, $0x32  }
.Ltmp8:
0x126: {  	[tilespmem:s10+$0x8430] =	vst.add.f32.msk $0xffff, v1;
	(pc) =	sbr.rel @p0 .LBB2_10-.Ltmp8, $4  }
0x127: {  	[tilespmem:s10+$0x8400] =	vst.add.f32.msk $0xffff, v2  }
0x128: {  	[tilespmem:s10+$0x8410] =	vst.add.f32.msk $0xffff, v3  }
0x129: {  	s1 =	sadd.s32 s7, s18;
	[tilespmem:s10+$0x8420] =	vst.add.f32.msk $0xffff, v4  }
0x12a: {  	[hbm4b:s1+s3] =	stream.linear.scatter [tilespmem:s23], [sflag:$0x8], $0x8000, $0x38;
	[tilespmem:$0x18400] =	vst v63  }
0x12b: {  	_ =	swait.ge [sflag:s15], $0x8000  }
0x12c: {  	[sflag:s15] =	ssyncset.done $0x0  }
0x12d: {  	[sflag:s15] =	ssyncadd.s32 $0xFFFF8000  }
0x12e: {  	_ =	swait.ge [sflag:s24], $0x100  }
0x12f: {  	[sflag:s24] =	ssyncset.done $0x0  }
0x130: {  	[sflag:s24] =	ssyncadd.s32 $0xFFFFFF00  }
0x131: {  	_ =	swait.ge [sflag:s30], $0x8000  }
0x132: {  	s8 =	rddreg [dreg:$0xe]  }
0x133: {  	s1 =	rddreg [dreg:$0xb];
	s8 =	sadd.s32 $0x1, s8  }
0x134: {  	p0 =	sne.s32 s8, s1  }
.Ltmp9:
0x135: {  	_ = 	snop;
	(pc) =	sbr.rel @p0 .LBB2_1-.Ltmp9, $3  }
0x136: {  	_ =	sdelay $0x1  }
0x137: {  	[sflag:s30] =	ssyncset.done $0x0  }
0x138: {  	[sflag:s30] =	ssyncadd.s32 $0xFFFF8000  }
0x139: {  	_ =	sfence.sel $0x180000  }
0x13a: {  	[bflag:$0x0] =	sbarrier.arrive $0xFFFF  }
0x13b: {  	_ =	strace $0x90000047  }
0x13c: {  	s0 =	stileid.u32;
	[bflag:$0x2] =	sbarrier.arrive $0xFFFF  }
0x13d: {  	p0 =	sne.s32 s0, $0x0;
	s0 =	rddreg [dreg:$0x2]  }
0x13e: {  	s0 =	sadd.s32 @!p0 $0x100000, s0  }
0x13f: {  	[sflag:s0] =	ssyncadd.tile.s32 @!p0 $0x1;
	_ =	shalt  }
.Lfunc_end2:
_tile_overlayer_lowered:
.L_overlay_start_2:
0x140: {  	(tag) =	ssettag $0x2  }
0x141: {  	s0 =	rddreg [dreg:$0x0];
	s2 =	stileid.u32  }
0x142: {  	s1 =	rddreg [dreg:$0x1];
	p0 =	sne.s32 s2, $0x0  }
0x143: {  	s3 =	rddreg [dreg:$0x2];
	[bflag:$0x3] =	sbarrier.arrive $0xFFFF;
	s2 =	simm.s32 @!p0 $0x1C09  }
0x144: {  	[timem:s3], [sflag:s2] =	dma.local @!p0 [hbm:s0], s1  }
0x145: {  	s0 =	simm.s32 @!p0 $0x9  }
0x146: {  	_ =	swait.ge @!p0 [sflag:s0], s1  }
0x147: {  	s1 =	ssub.s32 @!p0 $0x0, s1;
	[sflag:s0] =	ssyncset.done @!p0 $0x0  }
0x148: {  	[sflag:s0] =	ssyncadd.s32 @!p0 s1  }
0x149: {  	[bflag:$0x3] =	sbarrier.arrive $0xFFFF  }
0x14a: {  	_ =	shalt  }

// kernel: sparse-core-data-format-call.cloned.1.call-start
scs
called_computation_lowered:
.L_overlay_start_0:
0x0: {  	s2 =	sld [smem:$0x3FD9]  }
0x1: {  	s3 =	sld [smem:$0x3FFE];
	_ =	sdelay $0x1  }
0x2: {  	s1 =	srdreg.scid  }
0x3: {  	s0 =	sand.u32 $0x1, s1  }
0x4: {  	s18 =	sshll.u32 s0, $0xA;
	s2 =	sadd.s32 s3, s2  }
0x5: {  	s2 =	sadd.s32 s2, s18  }
0x6: {  	[smem:$0x3FC5] =	sst s2  }
0x7: {  	_ = 	snop  }
0x8: {  	s2 =	sld [smem:$0x3FD0];
	(tm) =	ssettm $0x1  }
0x9: {  	s19 =	sld [smem:$0x3FFB];
	_ =	sdelay $0x3  }
0xa: {  	_ =	strace s19  }
0xb: {  	s3 =	sld [smem:$0x3FFC];
	_ =	sdelay $0x3  }
0xc: {  	_ =	strace s3  }
0xd: {  	s3 =	sld [smem:$0x3FFD];
	_ =	sdelay $0x3  }
0xe: {  	_ =	strace s3  }
0xf: {  	_ =	strace $0x8FFFFFFF  }
0x10: {  	s20 =	sld [smem:$0x3FDB];
	_ =	sdelay $0x1  }
0x11: {  	s4 =	simm.s32 $_scs_section_size  }
0x12: {  	s5 =	simm.s32 $_size__tile_overlayer_lowered;
	s6 =	simm.s32 $_tile_overlayer_lowered  }
0x13: {  	s23 =	simm.s32 $0x1BFF;
	s22 =	sshll.u32 s6, $0x1;
	s3 =	sadd.s32 s4, s20  }
0x14: {  	s7 =	simm.s32 $0x0;
	s21 =	sshll.u32 s5, $0x1;
	s5 =	sadd.s32 s22, s3  }
0x15: {  	[timem:s7], [sflag:s23] =	dma.local [hbm:s5], s21  }
0x16: {  	_ =	swait.ge [sflag:s23], s21  }
0x17: {  	s4 =	ssub.s32 $0x0, s21;
	[sflag:s23] =	ssyncset.done $0x0  }
0x18: {  	[sflag:s23] =	ssyncadd.s32 s4;
	_ =	sdelay $0x1  }
0x19: {  	s24 =	simm.s32 $0x1B8B  }
0x1a: {  	_ =	swait.ge [sflag:s24], $0x1  }
0x1b: {  	[sflag:s24] =	ssyncset.done $0x0  }
0x1c: {  	s26 =	simm.s32 $0x1B8E;
	s25 =	sld [smem:$0x3FFE];
	[sflag:s24] =	ssyncadd.s32 $0xFFFFFFFF  }
0x1d: {  	s27 =	simm.s32 $execute0_lowered;
	[smem:$0x3FD2] =	sst s26  }
0x1e: {  	s5 =	sshll.u32 s27, $0x1;
	_ =	strace $0x80000049;
	[dreg:$0x1] =	wrdreg $0xFFFFFFFF  }
0x1f: {  	s28 =	simm.s32 $_size_execute0_lowered;
	s3 =	sadd.s32 s3, s5;
	[dreg:$0x0] =	wrdreg $0x0  }
0x20: {  	s5 =	sshll.u32 s28, $0x1;
	[dreg:$0x2] =	wrdreg s3  }
0x21: {  	[dreg:$0x3] =	wrdreg s5  }
0x22: {  	[dreg:$0x4] =	wrdreg $0xC0  }
0x23: {  	_ =	task [dreg:s7], $0x5FFFF  }
0x24: {  	[dreg:$0x1] =	wrdreg $0xFFFFFFFF  }
0x25: {  	[dreg:$0x0] =	wrdreg $0x60  }
0x26: {  	[dreg:$0x2] =	wrdreg s25  }
0x27: {  	[dreg:$0x3] =	wrdreg s2  }
0x28: {  	[dreg:$0x4] =	wrdreg $0x9  }
0x29: {  	_ =	task.clear_ibuf [dreg:s7], $0x5FFFF;
	_ =	strace $0x90000049  }
0x2a: {  	s29 =	simm.s32 $0x9;
	_ =	strace $0x8000004B  }
0x2b: {  	_ =	swait.ge [sflag:s29], $0x1  }
0x2c: {  	[sflag:s29] =	ssyncadd.s32 $0xFFFFFFFF  }
0x2d: {  	_ =	strace $0x9000004B  }
0x2e: {  	_ =	sfence  }
0x2f: {  	s30 =	sld [smem:$0x0];
	_ =	sdelay $0x2  }
0x30: {  	s31 =	sshll.u32 s1, $0xD;
	s1 =	sshrl.u32 s1, $0x2  }
0x31: {  	s3 =	sand.u32 $0x4000, s31;
	s1 =	sadd.s32 s1, s30  }
0x32: {  	s0 =	sor.u32 s3, s0;
	s1 =	sshll.u32 s1, $0x11  }
0x33: {  	s0 =	sor.u32 s1, s0  }
0x34: {  	s0 =	sadd.s32 $0x8F2B, s0  }
0x35: {  	[sflag:s0] =	ssyncadd.remote.s32 $0x1  }
0x36: {  	_ =	sfence.sel $0xFFFF  }
0x37: {  	[dreg:$0x0] =	wrdreg $0xFFFFFFFF;
	(pc) =	sbr.abs _section_cstart, $3  }
0x38: {  	[dreg:$0x1] =	wrdreg $0xFFFFFFFF  }
0x39: {  	_ =	task.clear_ibuf [dreg:s7], $0x2FFFF;
	_ =	strace $0x9FFFFFFF  }
0x3a: {  	(tm) =	ssettm $0x7FFFFFFF  }
0x3b: {  	_ =	shalt  }
tec
execute0_lowered:
.L_overlay_start_1:
0x0: {  	(tag) =	ssettag $0x1  }
0x1: {  	s0 =	srdreg.scid  }
0x2: {  	s1 =	sshll.u32 s0, $0x4  }
0x3: {  	s0 =	stileid.u32;
	s1 =	sand.u32 $0x10, s1  }
0x4: {  	s1 =	sor.u32 s0, s1  }
0x5: {  	s6 =	rddreg [dreg:$0x0];
	s4 =	simm.s32 $0x1;
	s2 =	sshll.u32 s1, $0x7  }
0x6: {  	s7 =	simm.s32 $0x2;
	s12 =	simm.s32 $0x0;
	s1 =	ssub.s32 $0x1000, s2  }
0x7: {  	s8 =	simm.s32 $0x8000;
	s13 =	simm.s32 $0x0;
	s3 =	sand.u32 $0xF80, s1  }
0x8: {  	s9 =	simm.s32 $0x0;
	s5 =	sshrl.u32 s1, $0xC;
	p0 =	sne.s32 s3, $0x0  }
.Ltmp0:
0x9: {  	s1 =	rddreg [dreg:$0x2];
	s4 =	simm.s32 @!p0 $0x0;
	(pc) =	sbr.rel .LBB1_1-.Ltmp0, $4  }
0xa: {  	s11 =	simm.s32 $0x0;
	s3 =	rddreg [dreg:$0x1];
	s5 =	sadd.s32 s4, s5  }
0xb: {  	_ =	strace $0x8000004A;
	s4 =	simm.s32 $0x1;
	s5 =	smul.u32 $0xC8, s5  }
0xc: {  	s6 =	sadd.s32 $0xC94400, s6;
	s10 =	smov.u32 s2;
	[sflag:s4] =	ssyncpa.u1 $0x0  }
0xd: {  	p0 =	por $0x0, $0x0;
	[sflag:s7] =	ssyncpa.u1 $0x0;
	s7 =	sor.u32 $0x1, s5  }
.LBB1_4:
0xe: {  	s16 =	sshll.u32 s13, $0x3;
	s17 =	sand.u32 $0x78, s13  }
0xf: {  	s30 =	sand.u32 $0x7E00, s13;
	s12 =	sshll.u32 s12, $0xF;
	s16 =	sand.u32 $0xC00, s16  }
0x10: {  	[tilespmem:s15+$0x810 ss:$0x81] =	vst.msk $0xffff, v2;
	s31 =	sand.u32 $0x7, s13;
	s16 =	sor.u32 s17, s16;
	s17 =	sadd.s32 s3, s30  }
0x11: {  	[tilespmem:s15+$0x1020 ss:$0x81] =	vst.msk $0xffff, v0;
	s13 =	sshll.u32 s31, $0x12;
	s12 =	sadd.s32 s12, s17;
	s16 =	sshrl.u32 s16, $0x3  }
0x12: {  	[tilespmem:s15+$0x0 ss:$0x81] =	vst.msk $0xffff, v1;
	s13 =	sor.u32 $0x400, s13;
	s12 =	sadd.s32 s16, s12  }
0x13: {  	[hbm4b:s12+s13] =	stream.strided.scatter [tilespmem:s14], [sflag:$0x2], $0x2000, s8, s13, $0x20;
	[tilespmem:$0x8080] =	vst v63  }
.LBB1_5:
0x14: {  	s14 =	sadd.s32 $0x1, s9  }
0x15: {  	s12 =	sadd.s32 $0x1000, s10;
	s16 =	smov.u32 s10;
	p2 =	sgt.s32 s14, $0xC7  }
0x16: {  	s16 =	smov.u32 @p2 s12  }
0x17: {  	s14 =	simm.s32 @p2 $0x0;
	p2 =	sgt.s32 s16, $0xFFF  }
0x18: {  	s16 =	smov.u32 @p2 s2;
	p2 =	sne.s32 s11, s7  }
.Ltmp1:
0x19: {  	p1 =	slt.u32 s11, $0x2;
	(pc) =	sbr.rel @!p2 .LBB1_6-.Ltmp1, $4  }
0x1a: {  	s15 =	simm.s32 @!p1 $0x2  }
0x1b: {  	s13 =	smov.u32 s10;
	p0 =	por !p0, !p0;
	_ =	swait.ge @!p1 [sflag:s15], $0x2000  }
0x1c: {  	s12 =	smov.u32 s9;
	[sflag:s15] =	ssyncset.done @!p1 $0x0;
	s9 =	smov.u32 s14  }
0x1d: {  	s11 =	sadd.s32 $0x1, s11;
	[sflag:s15] =	ssyncadd.s32 @!p1 $0xFFFFE000;
	s10 =	smov.u32 s16  }
.LBB1_1:
0x1e: {  	p1 =	sge.u32 s11, s5  }
0x1f: {  	s14 =	sand.u32 @!p1 $0x1FFFFFF, s9  }
0x20: {  	s15 =	smulhi.u32 @!p1 $0x147AE15, s14;
	_ =	sdelay $0x1  }
0x21: {  	s15 =	smul.u32 @!p1 $0xC8, s15  }
0x22: {  	s16 =	sxor.u32 @!p1 $0xFFFFFFFF, s11;
	s17 =	smul.u32 @!p1 $0xC80, s10  }
0x23: {  	s31 =	sadd.s32 $0xFFFFFFFF, s11;
	s16 =	sshll.u32 @!p1 s16, $0xD;
	s14 =	ssub.s32 @!p1 s14, s15  }
0x24: {  	s15 =	sand.u32 @!p1 $0x2000, s16;
	s16 =	sadd.s32 @!p1 s6, s17;
	s14 =	sshll.u32 @!p1 s14, $0x4  }
0x25: {  	s17 =	simm.s32 @!p1 $0x6400;
	s14 =	sadd.s32 @!p1 s14, s16;
	s16 =	simm.s32 @!p1 $0x40  }
0x26: {  	[tilespmem:s15], [sflag:$0x1] =	stream.strided.gather @!p1 [hbm4b:s14+s16], $0x2000, s17, s16, $0x38;
	[tilespmem:$0x8080] =	vst v63  }
0x27: {  	p1 =	sge.u32 s31, s5  }
.Ltmp2:
0x28: {  	_ = 	snop;
	(pc) =	sbr.rel @p1 .LBB1_5-.Ltmp2, $1  }
0x29: {  	_ =	sdelay $0x3  }
0x2a: {  	s14 =	simm.s32 $0x1  }
0x2b: {  	_ =	swait.ge [sflag:s4], $0x2000;
	s14 =	simm.s32 @!p0 $0x0  }
0x2c: {  	[sflag:s4] =	ssyncset.done $0x0;
	s15 =	sshll.u32 s14, $0xD  }
0x2d: {  	[sflag:s4] =	ssyncadd.s32 $0xFFFFE000;
	s18 =	sor.u32 $0x20, s15  }
0x2e: {  	s14 =	smul.u32 $0x8100, s14;
	v3 =	vld [tilespmem:s18+$0x10]  }
0x2f: {  	s30 =	sand.u32 $0x1, s11;
	v2 =	vld [tilespmem:s18+$0xFFFFFFF0]  }
0x30: {  	s15 =	smul.u32 $0x8100, s30;
	s14 =	sshrl.u32 s14, $0x2;
	v0 =	vld [tilespmem:s18+$0x0]  }
0x31: {  	v1 =	vld [tilespmem:s18+$0xFFFFFFE0];
	s16 =	sor.u32 $0x4000, s14  }
0x32: {  	s31 =	sshrl.u32 s15, $0x2;
	s15 =	sadd.s32 $0x0, s16  }
0x33: {  	s17 =	simm.s32 $0x4;
	s18 =	sadd.s32 $0x40, s18;
	s14 =	sor.u32 $0x4000, s31;
	[tilespmem:s15+$0x1830 ss:$0x81] =	vst.msk $0xffff, v3  }
.LBB1_3:
0x34: {  	v3 =	vld [tilespmem:s18+$0x10];
	p1 =	sne.s32 s17, $0x1FC;
	[tilespmem:s15+$0x810 ss:$0x81] =	vst.msk $0xffff, v2;
	s19 =	smov.u32 s17;
	s17 =	sadd.s32 $0x4, s17  }
.Ltmp3:
0x35: {  	v2 =	vld [tilespmem:s18+$0xFFFFFFF0];
	[tilespmem:s15+$0x1020 ss:$0x81] =	vst.msk $0xffff, v0;
	(pc) =	sbr.rel @p1 .LBB1_3-.Ltmp3, $4  }
0x36: {  	v0 =	vld [tilespmem:s18+$0x0];
	[tilespmem:s15+$0x0 ss:$0x81] =	vst.msk $0xffff, v1  }
0x37: {  	s15 =	sshra.s32 s19, $0x2;
	v1 =	vld [tilespmem:s18+$0xFFFFFFE0]  }
0x38: {  	s15 =	sadd.s32 s15, s16  }
0x39: {  	s18 =	sadd.s32 $0x40, s18;
	[tilespmem:s15+$0x1830 ss:$0x81] =	vst.msk $0xffff, v3  }
.Ltmp4:
0x3a: {  	_ = 	snop;
	(pc) =	sbr.rel .LBB1_4-.Ltmp4, $1  }
0x3b: {  	_ =	sdelay $0x3  }
.LBB1_6:
0x3c: {  	_ =	sfence.sel $0x180000  }
0x3d: {  	s2 =	simm.s32 $0x1;
	[bflag:$0x0] =	sbarrier.arrive $0xFFFF  }
0x3e: {  	s31 =	simm.s32 $0x2;
	[sflag:s2] =	ssyncpa.u1 $0x1  }
0x3f: {  	[sflag:s31] =	ssyncpa.u1 $0x1  }
0x40: {  	p0 =	sne.s32 s0, $0x0;
	_ =	strace $0x9000004A  }
0x41: {  	s0 =	sadd.s32 @!p0 $0x100000, s1;
	[bflag:$0x2] =	sbarrier.arrive $0xFFFF  }
0x42: {  	[sflag:s0] =	ssyncadd.tile.s32 @!p0 $0x1;
	_ =	shalt  }
.Lfunc_end1:
_tile_overlayer_lowered:
.L_overlay_start_2:
0x43: {  	(tag) =	ssettag $0x2  }
0x44: {  	s0 =	rddreg [dreg:$0x0];
	s2 =	stileid.u32  }
0x45: {  	s1 =	rddreg [dreg:$0x1];
	p0 =	sne.s32 s2, $0x0  }
0x46: {  	s3 =	rddreg [dreg:$0x2];
	[bflag:$0x3] =	sbarrier.arrive $0xFFFF;
	s2 =	simm.s32 @!p0 $0x1C01  }
0x47: {  	[timem:s3], [sflag:s2] =	dma.local @!p0 [hbm:s0], s1  }
0x48: {  	s0 =	simm.s32 @!p0 $0x1  }
0x49: {  	_ =	swait.ge @!p0 [sflag:s0], s1  }
0x4a: {  	s1 =	ssub.s32 @!p0 $0x0, s1;
	[sflag:s0] =	ssyncset.done @!p0 $0x0  }
0x4b: {  	[sflag:s0] =	ssyncadd.s32 @!p0 s1  }
0x4c: {  	[bflag:$0x3] =	sbarrier.arrive $0xFFFF  }
0x4d: {  	_ =	shalt  }

</sc_bundles>
